<compile_context>
chip_gen: v7x
topology: tpu7x:2x2x1
jax: 0.10.2.dev20260603
libtpu: 0.0.44.dev20260713+nightly
codegen_flags: <defaults>
</compile_context>

<pallas_src>
import functools

import jax
import jax.numpy as jnp
from jax import lax
from jax.experimental import pallas as pl
from jax.experimental.pallas import tpu as pltpu
from jax.experimental.pallas import tpu_sc as plsc

N = 10000
E = 320000
D_IN = 128
D_HID = 64
D_OUT = 1

NC = 2
NS = 16
NW = NC * NS
K = 128
CHUNKS = 80
E_PAD = NW * CHUNKS * K
N_ACC = 10240
ROWS_PER_TILE = N_ACC // NS

_MESH = plsc.VectorSubcoreMesh(core_axis_name="c", subcore_axis_name="s")
_SC_PARAMS = pltpu.CompilerParams(use_tc_tiling_on_sc=False)


def _acc_slice(s):
    return pl.ds(s * ROWS_PER_TILE, ROWS_PER_TILE)


def _make_edge_agg(feat):

    @functools.partial(
        pl.kernel,
        out_type=jax.ShapeDtypeStruct((NC, N_ACC, feat), jnp.float32),
        mesh=_MESH,
        scratch_types=[
            pltpu.VMEM((CHUNKS, K), jnp.int32),
            pltpu.VMEM((CHUNKS, K), jnp.int32),
            pltpu.VMEM((K, feat), jnp.float32),
            pltpu.VMEM_SHARED((N_ACC, feat), jnp.float32),
        ],
        compiler_params=_SC_PARAMS,
    )
    def agg(table_hbm, srcs_hbm, dsts_hbm, zeros_hbm, out_hbm,
            src_v, dst_v, rows_v, acc_sh):
        c = lax.axis_index("c")
        s = lax.axis_index("s")
        wid = c * NS + s
        pltpu.sync_copy(zeros_hbm.at[_acc_slice(s)], acc_sh.at[_acc_slice(s)])
        pltpu.sync_copy(srcs_hbm.at[wid], src_v)
        pltpu.sync_copy(dsts_hbm.at[wid], dst_v)
        plsc.subcore_barrier()

        def body(j, carry):
            pltpu.sync_copy(table_hbm.at[src_v.at[j]], rows_v)
            pltpu.sync_copy(rows_v, acc_sh.at[dst_v.at[j]], add=True)
            return carry

        lax.fori_loop(0, CHUNKS, body, 0)
        plsc.subcore_barrier()
        pltpu.sync_copy(acc_sh.at[_acc_slice(s)],
                        out_hbm.at[c].at[_acc_slice(s)])

    return agg


_agg64 = _make_edge_agg(D_HID)
_agg1 = _make_edge_agg(1)


def _mm1_body(x_ref, w1_ref, degp_ref, t1_ref, dinv_ref):
    deg = degp_ref[0, :N, :] + degp_ref[1, :N, :] + 1.0
    dinv = lax.rsqrt(deg)
    mm = jnp.dot(x_ref[...], w1_ref[...], preferred_element_type=jnp.float32)
    t1_ref[:N, :] = mm * dinv
    t1_ref[N:, :] = jnp.zeros((N_ACC - N, D_HID), jnp.float32)
    dinv_ref[...] = dinv


def _mm2_body(aggp_ref, t1_ref, dinv_ref, w2_ref, b1_ref, t2_ref):
    aggsum = aggp_ref[0, :N, :] + aggp_ref[1, :N, :] + t1_ref[:N, :]
    h = jnp.maximum(aggsum * dinv_ref[...] + b1_ref[...], 0.0)
    mm = jnp.dot(h, w2_ref[...], preferred_element_type=jnp.float32)
    t2_ref[:N, :] = mm * dinv_ref[...]
    t2_ref[N:, :] = jnp.zeros((N_ACC - N, 1), jnp.float32)


def _fin_body(aggp_ref, t2_ref, dinv_ref, b2_ref, out_ref):
    a = aggp_ref[0, :N, :] + aggp_ref[1, :N, :] + t2_ref[:N, :]
    out_ref[...] = jax.nn.sigmoid(a * dinv_ref[...] + b2_ref[...])


def kernel(x, edge_index, W1, b1, W2, b2):
    src = edge_index[0].astype(jnp.int32)
    dst = edge_index[1].astype(jnp.int32)

    pad = E_PAD - E
    pr = jnp.arange(pad, dtype=jnp.int32)
    pad_src = (pr * 997) % N
    pad_dst = N + pr % (N_ACC - N)
    srcs = jnp.concatenate([src, pad_src]).reshape(NW, CHUNKS, K)
    dsts = jnp.concatenate([dst, pad_dst]).reshape(NW, CHUNKS, K)

    zeros64 = jnp.zeros((N_ACC, D_HID), jnp.float32)
    zeros1 = jnp.zeros((N_ACC, 1), jnp.float32)
    ones_tbl = jnp.ones((N_ACC, 1), jnp.float32)

    degp = _agg1(ones_tbl, srcs, dsts, zeros1)

    t1, dinv = pl.pallas_call(
        _mm1_body,
        out_shape=(
            jax.ShapeDtypeStruct((N_ACC, D_HID), jnp.float32),
            jax.ShapeDtypeStruct((N, 1), jnp.float32),
        ),
    )(x, W1, degp)

    agg1p = _agg64(t1, srcs, dsts, zeros64)

    t2 = pl.pallas_call(
        _mm2_body,
        out_shape=jax.ShapeDtypeStruct((N_ACC, 1), jnp.float32),
    )(agg1p, t1, dinv, W2, b1)

    agg2p = _agg1(t2, srcs, dsts, zeros1)

    out = pl.pallas_call(
        _fin_body,
        out_shape=jax.ShapeDtypeStruct((N, D_OUT), jnp.float32),
    )(agg2p, t2, dinv, b2)
    return out

# --- scband reference (transcript-rebuilt; emitter-appended) ---
"""Pipeline reference for scband-gnnmodel-14328010899642 (READ-ONLY COPY).

The authoritative reference and input builder live on the scoring server;
editing this copy changes nothing except your own understanding.
"""

import jax, jax.numpy as jnp
import numpy as np

N = 10000
E = 320000
D_IN = 128
D_HID = 64
D_OUT = 1


def _gcn_conv(x, src, dst, W, b, n):
    # PyG GCNConv: linear transform, add self-loops, symmetric normalization,
    # scatter-add aggregation at dst, then bias.
    x = x @ W
    loop = jnp.arange(n, dtype=src.dtype)
    s = jnp.concatenate([src, loop])
    d = jnp.concatenate([dst, loop])
    deg = jnp.zeros((n,), x.dtype).at[d].add(jnp.ones((s.shape[0],), x.dtype))
    dinv = jax.lax.rsqrt(jnp.maximum(deg, 1e-12))
    norm = dinv[s] * dinv[d]
    msg = x[s] * norm[:, None]
    out = jnp.zeros((n, x.shape[1]), x.dtype).at[d].add(msg)
    return out + b


def setup_inputs(seed: int = 0) -> dict:
    key = jax.random.key(seed)
    k1, k2, k3, k4, k5 = jax.random.split(key, 5)
    x = jax.random.normal(k1, (N, D_IN), dtype=jnp.float32)
    edge_index = jax.random.randint(k2, (2, E), 0, N, dtype=jnp.int64)
    W1 = jax.random.normal(k3, (D_IN, D_HID), dtype=jnp.float32) / np.sqrt(D_IN)
    b1 = jnp.zeros((D_HID,), dtype=jnp.float32)
    W2 = jax.random.normal(k4, (D_HID, D_OUT), dtype=jnp.float32) / np.sqrt(D_HID)
    b2 = jnp.zeros((D_OUT,), dtype=jnp.float32)
    return {"x": x, "edge_index": edge_index, "W1": W1, "b1": b1, "W2": W2, "b2": b2}


def reference(x, edge_index, W1, b1, W2, b2):
    src = edge_index[0]
    dst = edge_index[1]
    h = _gcn_conv(x, src, dst, W1, b1, N)
    h = jax.nn.relu(h)
    h = _gcn_conv(h, src, dst, W2, b2, N)
    return jax.nn.sigmoid(h)

if __name__ == "__main__":
    import jax
    _d = setup_inputs()
    print(jax.jit(kernel)(*tuple(_d.values())))

</pallas_src>

<mosaic_0001>
#map = affine_map<(d0, d1) -> (0, 0)>
#map1 = affine_map<(d0, d1) -> (0, 0, 0)>
module attributes {stable_mosaic.version = 14 : i64} {
  func.func @agg(%arg0: i32, %arg1: i32, %arg2: memref<10240x64xf32, #tpu.memory_space<hbm>>, %arg3: memref<32x80x128xi32, #tpu.memory_space<hbm>>, %arg4: memref<32x80x128xi32, #tpu.memory_space<hbm>>, %arg5: memref<10240x64xf32, #tpu.memory_space<hbm>>, %arg6: memref<2x10240x64xf32, #tpu.memory_space<hbm>>, %arg7: memref<80x128xi32, #tpu.memory_space<vmem>>, %arg8: memref<80x128xi32, #tpu.memory_space<vmem>>, %arg9: memref<128x64xf32, #tpu.memory_space<vmem>>, %arg10: memref<10240x64xf32, #tpu.memory_space<vmem_shared>>) attributes {dimension_semantics = [#tpu.dimension_semantics<core_parallel>, #tpu.dimension_semantics<subcore_parallel>], iteration_bounds = array<i64: 2, 16>, scalar_prefetch = 0 : i64, scratch_operands = 4 : i64, tpu.core_type = #tpu.core_type<sc_vector_subcore>, window_params = [{transform_indices = #map}, {transform_indices = #map1}, {transform_indices = #map1}, {transform_indices = #map}, {transform_indices = #map1}]} {
    %mul3A = arith.constant 16 : i32
    %mul3A_0 = arith.muli %arg0, %mul3A : i32
    %add3A = arith.addi %mul3A_0, %arg1 : i32
    %mul3A_1 = arith.constant 640 : i32
    %mul3A_2 = arith.muli %arg1, %mul3A_1 : i32
    %mul3A_3 = arith.constant 640 : i32
    %mul3A_4 = arith.muli %arg1, %mul3A_3 : i32
    "tpu.region"() ({
      %run_scoped3A = tpu.sem_alloc : memref<!tpu.dma_semaphore, #tpu.memory_space<semaphore_mem>>
      %dma_start3A = arith.constant 0 : i32
      %dma_start3A_15 = tpu.memref_slice %arg10[%mul3A_4, %dma_start3A] : memref<10240x64xf32, #tpu.memory_space<vmem_shared>> -> memref<640x64xf32, #tpu.memory_space<vmem_shared>>
      %dma_start3A_16 = arith.constant 0 : i32
      %dma_start3A_17 = tpu.memref_slice %arg5[%mul3A_2, %dma_start3A_16] : memref<10240x64xf32, #tpu.memory_space<hbm>> -> memref<640x64xf32, #tpu.memory_space<hbm>>
      tpu.enqueue_dma source(%dma_start3A_17 : memref<640x64xf32, #tpu.memory_space<hbm>>) target(%dma_start3A_15 : memref<640x64xf32, #tpu.memory_space<vmem_shared>>) target_semaphore(%run_scoped3A : memref<!tpu.dma_semaphore, #tpu.memory_space<semaphore_mem>>)
      %dma_wait3A = arith.constant 0 : i32
      %dma_wait3A_18 = tpu.memref_slice %arg10[%mul3A_4, %dma_wait3A] : memref<10240x64xf32, #tpu.memory_space<vmem_shared>> -> memref<640x64xf32, #tpu.memory_space<vmem_shared>>
      %dma_wait3A_19 = arith.constant 0 : i32
      %dma_wait3A_20 = tpu.memref_slice %arg5[%mul3A_2, %dma_wait3A_19] : memref<10240x64xf32, #tpu.memory_space<hbm>> -> memref<640x64xf32, #tpu.memory_space<hbm>>
      tpu.wait_dma2 semaphore(%run_scoped3A : memref<!tpu.dma_semaphore, #tpu.memory_space<semaphore_mem>>) src(%dma_wait3A_20 : memref<640x64xf32, #tpu.memory_space<hbm>>) dst(%dma_wait3A_18 : memref<640x64xf32, #tpu.memory_space<vmem_shared>>)
      tpu.yield
    }) : () -> ()
    "tpu.region"() ({
      %run_scoped3A = tpu.sem_alloc : memref<!tpu.dma_semaphore, #tpu.memory_space<semaphore_mem>>
      %dma_start3A = arith.constant 0 : i32
      %dma_start3A_15 = arith.constant 0 : i32
      %dma_start3A_16 = tpu.memref_slice %arg3[%add3A, %dma_start3A, %dma_start3A_15] : memref<32x80x128xi32, #tpu.memory_space<hbm>> -> memref<1x80x128xi32, #tpu.memory_space<hbm>>
      %dma_start3A_17 = tpu.memref_squeeze %dma_start3A_16 : memref<1x80x128xi32, #tpu.memory_space<hbm>> -> memref<80x128xi32, #tpu.memory_space<hbm>>
      %dma_start3A_18 = arith.constant 0 : i32
      %dma_start3A_19 = arith.constant 0 : i32
      %dma_start3A_20 = tpu.memref_slice %arg3[%add3A, %dma_start3A_18, %dma_start3A_19] : memref<32x80x128xi32, #tpu.memory_space<hbm>> -> memref<1x80x128xi32, #tpu.memory_space<hbm>>
      %dma_start3A_21 = tpu.memref_squeeze %dma_start3A_20 : memref<1x80x128xi32, #tpu.memory_space<hbm>> -> memref<80x128xi32, #tpu.memory_space<hbm>>
      tpu.enqueue_dma source(%dma_start3A_21 : memref<80x128xi32, #tpu.memory_space<hbm>>) target(%arg7 : memref<80x128xi32, #tpu.memory_space<vmem>>) target_semaphore(%run_scoped3A : memref<!tpu.dma_semaphore, #tpu.memory_space<semaphore_mem>>)
      %dma_wait3A = arith.constant 0 : i32
      %dma_wait3A_22 = arith.constant 0 : i32
      %dma_wait3A_23 = tpu.memref_slice %arg3[%add3A, %dma_wait3A, %dma_wait3A_22] : memref<32x80x128xi32, #tpu.memory_space<hbm>> -> memref<1x80x128xi32, #tpu.memory_space<hbm>>
      %dma_wait3A_24 = tpu.memref_squeeze %dma_wait3A_23 : memref<1x80x128xi32, #tpu.memory_space<hbm>> -> memref<80x128xi32, #tpu.memory_space<hbm>>
      %dma_wait3A_25 = arith.constant 0 : i32
      %dma_wait3A_26 = arith.constant 0 : i32
      %dma_wait3A_27 = tpu.memref_slice %arg3[%add3A, %dma_wait3A_25, %dma_wait3A_26] : memref<32x80x128xi32, #tpu.memory_space<hbm>> -> memref<1x80x128xi32, #tpu.memory_space<hbm>>
      %dma_wait3A_28 = tpu.memref_squeeze %dma_wait3A_27 : memref<1x80x128xi32, #tpu.memory_space<hbm>> -> memref<80x128xi32, #tpu.memory_space<hbm>>
      tpu.wait_dma2 semaphore(%run_scoped3A : memref<!tpu.dma_semaphore, #tpu.memory_space<semaphore_mem>>) src(%dma_wait3A_28 : memref<80x128xi32, #tpu.memory_space<hbm>>) dst(%arg7 : memref<80x128xi32, #tpu.memory_space<vmem>>)
      tpu.yield
    }) : () -> ()
    "tpu.region"() ({
      %run_scoped3A = tpu.sem_alloc : memref<!tpu.dma_semaphore, #tpu.memory_space<semaphore_mem>>
      %dma_start3A = arith.constant 0 : i32
      %dma_start3A_15 = arith.constant 0 : i32
      %dma_start3A_16 = tpu.memref_slice %arg4[%add3A, %dma_start3A, %dma_start3A_15] : memref<32x80x128xi32, #tpu.memory_space<hbm>> -> memref<1x80x128xi32, #tpu.memory_space<hbm>>
      %dma_start3A_17 = tpu.memref_squeeze %dma_start3A_16 : memref<1x80x128xi32, #tpu.memory_space<hbm>> -> memref<80x128xi32, #tpu.memory_space<hbm>>
      %dma_start3A_18 = arith.constant 0 : i32
      %dma_start3A_19 = arith.constant 0 : i32
      %dma_start3A_20 = tpu.memref_slice %arg4[%add3A, %dma_start3A_18, %dma_start3A_19] : memref<32x80x128xi32, #tpu.memory_space<hbm>> -> memref<1x80x128xi32, #tpu.memory_space<hbm>>
      %dma_start3A_21 = tpu.memref_squeeze %dma_start3A_20 : memref<1x80x128xi32, #tpu.memory_space<hbm>> -> memref<80x128xi32, #tpu.memory_space<hbm>>
      tpu.enqueue_dma source(%dma_start3A_21 : memref<80x128xi32, #tpu.memory_space<hbm>>) target(%arg8 : memref<80x128xi32, #tpu.memory_space<vmem>>) target_semaphore(%run_scoped3A : memref<!tpu.dma_semaphore, #tpu.memory_space<semaphore_mem>>)
      %dma_wait3A = arith.constant 0 : i32
      %dma_wait3A_22 = arith.constant 0 : i32
      %dma_wait3A_23 = tpu.memref_slice %arg4[%add3A, %dma_wait3A, %dma_wait3A_22] : memref<32x80x128xi32, #tpu.memory_space<hbm>> -> memref<1x80x128xi32, #tpu.memory_space<hbm>>
      %dma_wait3A_24 = tpu.memref_squeeze %dma_wait3A_23 : memref<1x80x128xi32, #tpu.memory_space<hbm>> -> memref<80x128xi32, #tpu.memory_space<hbm>>
      %dma_wait3A_25 = arith.constant 0 : i32
      %dma_wait3A_26 = arith.constant 0 : i32
      %dma_wait3A_27 = tpu.memref_slice %arg4[%add3A, %dma_wait3A_25, %dma_wait3A_26] : memref<32x80x128xi32, #tpu.memory_space<hbm>> -> memref<1x80x128xi32, #tpu.memory_space<hbm>>
      %dma_wait3A_28 = tpu.memref_squeeze %dma_wait3A_27 : memref<1x80x128xi32, #tpu.memory_space<hbm>> -> memref<80x128xi32, #tpu.memory_space<hbm>>
      tpu.wait_dma2 semaphore(%run_scoped3A : memref<!tpu.dma_semaphore, #tpu.memory_space<semaphore_mem>>) src(%dma_wait3A_28 : memref<80x128xi32, #tpu.memory_space<hbm>>) dst(%arg8 : memref<80x128xi32, #tpu.memory_space<vmem>>)
      tpu.yield
    }) : () -> ()
    %barrier3A = arith.constant 0 : index
    tpu.barrier barrier_id(%barrier3A)
    %scan3A = arith.constant 0 : i32
    %scan3A_5 = arith.constant 0 : i32
    %scan3A_6 = arith.constant 80 : i32
    %scan3A_7 = arith.addi %scan3A_5, %scan3A_6 : i32
    %scan3A_8 = arith.constant 1 : i32
    scf.for %scan3A_15 = %scan3A_5 to %scan3A_7 step %scan3A_8  : i32 {
      "tpu.region"() ({
        %run_scoped3A = tpu.sem_alloc : memref<!tpu.dma_semaphore, #tpu.memory_space<semaphore_mem>>
        %dma_start3A = arith.constant 0 : i32
        %dma_start3A_16 = tpu.memref_slice %arg7[%scan3A_15, %dma_start3A] : memref<80x128xi32, #tpu.memory_space<vmem>> -> memref<1x128xi32, #tpu.memory_space<vmem>>
        %dma_start3A_17 = tpu.memref_squeeze %dma_start3A_16 : memref<1x128xi32, #tpu.memory_space<vmem>> -> memref<128xi32, #tpu.memory_space<vmem>>
        %dma_start3A_18 = arith.constant 0 : i32
        %dma_start3A_19 = arith.constant 0 : i32
        %dma_start3A_20 = tpu.memref_slice %arg2[%dma_start3A_18, %dma_start3A_19] : memref<10240x64xf32, #tpu.memory_space<hbm>> -> memref<10240x64xf32, #tpu.memory_space<hbm>>
        tpu.enqueue_indirect_dma source(%dma_start3A_20 : memref<10240x64xf32, #tpu.memory_space<hbm>>) target(%arg9 : memref<128x64xf32, #tpu.memory_space<vmem>>) offsets(%dma_start3A_17 : memref<128xi32, #tpu.memory_space<vmem>>) semaphore(%run_scoped3A : memref<!tpu.dma_semaphore, #tpu.memory_space<semaphore_mem>>)
        %dma_wait3A = arith.constant 0 : i32
        %dma_wait3A_21 = tpu.memref_slice %arg7[%scan3A_15, %dma_wait3A] : memref<80x128xi32, #tpu.memory_space<vmem>> -> memref<1x128xi32, #tpu.memory_space<vmem>>
        %dma_wait3A_22 = tpu.memref_squeeze %dma_wait3A_21 : memref<1x128xi32, #tpu.memory_space<vmem>> -> memref<128xi32, #tpu.memory_space<vmem>>
        %dma_wait3A_23 = arith.constant 0 : i32
        %dma_wait3A_24 = arith.constant 0 : i32
        %dma_wait3A_25 = tpu.memref_slice %arg2[%dma_wait3A_23, %dma_wait3A_24] : memref<10240x64xf32, #tpu.memory_space<hbm>> -> memref<10240x64xf32, #tpu.memory_space<hbm>>
        tpu.wait_indirect_dma semaphore(%run_scoped3A : memref<!tpu.dma_semaphore, #tpu.memory_space<semaphore_mem>>) src(%dma_wait3A_25 : memref<10240x64xf32, #tpu.memory_space<hbm>>) dst(%arg9 : memref<128x64xf32, #tpu.memory_space<vmem>>)
        tpu.yield
      }) : () -> ()
      "tpu.region"() ({
        %run_scoped3A = tpu.sem_alloc : memref<!tpu.dma_semaphore, #tpu.memory_space<semaphore_mem>>
        %dma_start3A = arith.constant 0 : i32
        %dma_start3A_16 = tpu.memref_slice %arg8[%scan3A_15, %dma_start3A] : memref<80x128xi32, #tpu.memory_space<vmem>> -> memref<1x128xi32, #tpu.memory_space<vmem>>
        %dma_start3A_17 = tpu.memref_squeeze %dma_start3A_16 : memref<1x128xi32, #tpu.memory_space<vmem>> -> memref<128xi32, #tpu.memory_space<vmem>>
        %dma_start3A_18 = arith.constant 0 : i32
        %dma_start3A_19 = arith.constant 0 : i32
        %dma_start3A_20 = tpu.memref_slice %arg10[%dma_start3A_18, %dma_start3A_19] : memref<10240x64xf32, #tpu.memory_space<vmem_shared>> -> memref<10240x64xf32, #tpu.memory_space<vmem_shared>>
        tpu.enqueue_indirect_dma source(%arg9 : memref<128x64xf32, #tpu.memory_space<vmem>>) target(%dma_start3A_20 : memref<10240x64xf32, #tpu.memory_space<vmem_shared>>) offsets(%dma_start3A_17 : memref<128xi32, #tpu.memory_space<vmem>>) semaphore(%run_scoped3A : memref<!tpu.dma_semaphore, #tpu.memory_space<semaphore_mem>>) {add = true}
        %dma_wait3A = arith.constant 0 : i32
        %dma_wait3A_21 = tpu.memref_slice %arg8[%scan3A_15, %dma_wait3A] : memref<80x128xi32, #tpu.memory_space<vmem>> -> memref<1x128xi32, #tpu.memory_space<vmem>>
        %dma_wait3A_22 = tpu.memref_squeeze %dma_wait3A_21 : memref<1x128xi32, #tpu.memory_space<vmem>> -> memref<128xi32, #tpu.memory_space<vmem>>
        %dma_wait3A_23 = arith.constant 0 : i32
        %dma_wait3A_24 = arith.constant 0 : i32
        %dma_wait3A_25 = tpu.memref_slice %arg10[%dma_wait3A_23, %dma_wait3A_24] : memref<10240x64xf32, #tpu.memory_space<vmem_shared>> -> memref<10240x64xf32, #tpu.memory_space<vmem_shared>>
        tpu.wait_indirect_dma semaphore(%run_scoped3A : memref<!tpu.dma_semaphore, #tpu.memory_space<semaphore_mem>>) src(%arg9 : memref<128x64xf32, #tpu.memory_space<vmem>>) dst(%dma_wait3A_25 : memref<10240x64xf32, #tpu.memory_space<vmem_shared>>)
        tpu.yield
      }) : () -> ()
    }
    %scan3A_9 = arith.constant 80 : i32
    %barrier3A_10 = arith.constant 0 : index
    tpu.barrier barrier_id(%barrier3A_10)
    %mul3A_11 = arith.constant 640 : i32
    %mul3A_12 = arith.muli %arg1, %mul3A_11 : i32
    %mul3A_13 = arith.constant 640 : i32
    %mul3A_14 = arith.muli %arg1, %mul3A_13 : i32
    "tpu.region"() ({
      %run_scoped3A = tpu.sem_alloc : memref<!tpu.dma_semaphore, #tpu.memory_space<semaphore_mem>>
      %dma_start3A = arith.constant 0 : i32
      %dma_start3A_15 = arith.constant 0 : i32
      %dma_start3A_16 = tpu.memref_slice %arg6[%arg0, %dma_start3A, %dma_start3A_15] : memref<2x10240x64xf32, #tpu.memory_space<hbm>> -> memref<1x10240x64xf32, #tpu.memory_space<hbm>>
      %dma_start3A_17 = tpu.memref_squeeze %dma_start3A_16 : memref<1x10240x64xf32, #tpu.memory_space<hbm>> -> memref<10240x64xf32, #tpu.memory_space<hbm>>
      %dma_start3A_18 = arith.constant 0 : i32
      %dma_start3A_19 = tpu.memref_slice %dma_start3A_17[%mul3A_14, %dma_start3A_18] : memref<10240x64xf32, #tpu.memory_space<hbm>> -> memref<640x64xf32, #tpu.memory_space<hbm>>
      %dma_start3A_20 = arith.constant 0 : i32
      %dma_start3A_21 = tpu.memref_slice %arg10[%mul3A_12, %dma_start3A_20] : memref<10240x64xf32, #tpu.memory_space<vmem_shared>> -> memref<640x64xf32, #tpu.memory_space<vmem_shared>>
      tpu.enqueue_dma source(%dma_start3A_21 : memref<640x64xf32, #tpu.memory_space<vmem_shared>>) target(%dma_start3A_19 : memref<640x64xf32, #tpu.memory_space<hbm>>) target_semaphore(%run_scoped3A : memref<!tpu.dma_semaphore, #tpu.memory_space<semaphore_mem>>)
      %dma_wait3A = arith.constant 0 : i32
      %dma_wait3A_22 = arith.constant 0 : i32
      %dma_wait3A_23 = tpu.memref_slice %arg6[%arg0, %dma_wait3A, %dma_wait3A_22] : memref<2x10240x64xf32, #tpu.memory_space<hbm>> -> memref<1x10240x64xf32, #tpu.memory_space<hbm>>
      %dma_wait3A_24 = tpu.memref_squeeze %dma_wait3A_23 : memref<1x10240x64xf32, #tpu.memory_space<hbm>> -> memref<10240x64xf32, #tpu.memory_space<hbm>>
      %dma_wait3A_25 = arith.constant 0 : i32
      %dma_wait3A_26 = tpu.memref_slice %dma_wait3A_24[%mul3A_14, %dma_wait3A_25] : memref<10240x64xf32, #tpu.memory_space<hbm>> -> memref<640x64xf32, #tpu.memory_space<hbm>>
      %dma_wait3A_27 = arith.constant 0 : i32
      %dma_wait3A_28 = tpu.memref_slice %arg10[%mul3A_12, %dma_wait3A_27] : memref<10240x64xf32, #tpu.memory_space<vmem_shared>> -> memref<640x64xf32, #tpu.memory_space<vmem_shared>>
      tpu.wait_dma2 semaphore(%run_scoped3A : memref<!tpu.dma_semaphore, #tpu.memory_space<semaphore_mem>>) src(%dma_wait3A_28 : memref<640x64xf32, #tpu.memory_space<vmem_shared>>) dst(%dma_wait3A_26 : memref<640x64xf32, #tpu.memory_space<hbm>>)
      tpu.yield
    }) : () -> ()
    return
  }
}

#map = affine_map<(d0, d1) -> (0, 0)>
#map1 = affine_map<(d0, d1) -> (0, 0, 0)>
module attributes {stable_mosaic.version = 14 : i64} {
  func.func @agg(%arg0: i32, %arg1: i32, %arg2: memref<10240x1xf32, #tpu.memory_space<hbm>>, %arg3: memref<32x80x128xi32, #tpu.memory_space<hbm>>, %arg4: memref<32x80x128xi32, #tpu.memory_space<hbm>>, %arg5: memref<10240x1xf32, #tpu.memory_space<hbm>>, %arg6: memref<2x10240x1xf32, #tpu.memory_space<hbm>>, %arg7: memref<80x128xi32, #tpu.memory_space<vmem>>, %arg8: memref<80x128xi32, #tpu.memory_space<vmem>>, %arg9: memref<128x1xf32, #tpu.memory_space<vmem>>, %arg10: memref<10240x1xf32, #tpu.memory_space<vmem_shared>>) attributes {dimension_semantics = [#tpu.dimension_semantics<core_parallel>, #tpu.dimension_semantics<subcore_parallel>], iteration_bounds = array<i64: 2, 16>, scalar_prefetch = 0 : i64, scratch_operands = 4 : i64, tpu.core_type = #tpu.core_type<sc_vector_subcore>, window_params = [{transform_indices = #map}, {transform_indices = #map1}, {transform_indices = #map1}, {transform_indices = #map}, {transform_indices = #map1}]} {
    %mul3A = arith.constant 16 : i32
    %mul3A_0 = arith.muli %arg0, %mul3A : i32
    %add3A = arith.addi %mul3A_0, %arg1 : i32
    %mul3A_1 = arith.constant 640 : i32
    %mul3A_2 = arith.muli %arg1, %mul3A_1 : i32
    %mul3A_3 = arith.constant 640 : i32
    %mul3A_4 = arith.muli %arg1, %mul3A_3 : i32
    "tpu.region"() ({
      %run_scoped3A = tpu.sem_alloc : memref<!tpu.dma_semaphore, #tpu.memory_space<semaphore_mem>>
      %dma_start3A = arith.constant 0 : i32
      %dma_start3A_15 = tpu.memref_slice %arg10[%mul3A_4, %dma_start3A] : memref<10240x1xf32, #tpu.memory_space<vmem_shared>> -> memref<640x1xf32, #tpu.memory_space<vmem_shared>>
      %dma_start3A_16 = arith.constant 0 : i32
      %dma_start3A_17 = tpu.memref_slice %arg5[%mul3A_2, %dma_start3A_16] : memref<10240x1xf32, #tpu.memory_space<hbm>> -> memref<640x1xf32, #tpu.memory_space<hbm>>
      tpu.enqueue_dma source(%dma_start3A_17 : memref<640x1xf32, #tpu.memory_space<hbm>>) target(%dma_start3A_15 : memref<640x1xf32, #tpu.memory_space<vmem_shared>>) target_semaphore(%run_scoped3A : memref<!tpu.dma_semaphore, #tpu.memory_space<semaphore_mem>>)
      %dma_wait3A = arith.constant 0 : i32
      %dma_wait3A_18 = tpu.memref_slice %arg10[%mul3A_4, %dma_wait3A] : memref<10240x1xf32, #tpu.memory_space<vmem_shared>> -> memref<640x1xf32, #tpu.memory_space<vmem_shared>>
      %dma_wait3A_19 = arith.constant 0 : i32
      %dma_wait3A_20 = tpu.memref_slice %arg5[%mul3A_2, %dma_wait3A_19] : memref<10240x1xf32, #tpu.memory_space<hbm>> -> memref<640x1xf32, #tpu.memory_space<hbm>>
      tpu.wait_dma2 semaphore(%run_scoped3A : memref<!tpu.dma_semaphore, #tpu.memory_space<semaphore_mem>>) src(%dma_wait3A_20 : memref<640x1xf32, #tpu.memory_space<hbm>>) dst(%dma_wait3A_18 : memref<640x1xf32, #tpu.memory_space<vmem_shared>>)
      tpu.yield
    }) : () -> ()
    "tpu.region"() ({
      %run_scoped3A = tpu.sem_alloc : memref<!tpu.dma_semaphore, #tpu.memory_space<semaphore_mem>>
      %dma_start3A = arith.constant 0 : i32
      %dma_start3A_15 = arith.constant 0 : i32
      %dma_start3A_16 = tpu.memref_slice %arg3[%add3A, %dma_start3A, %dma_start3A_15] : memref<32x80x128xi32, #tpu.memory_space<hbm>> -> memref<1x80x128xi32, #tpu.memory_space<hbm>>
      %dma_start3A_17 = tpu.memref_squeeze %dma_start3A_16 : memref<1x80x128xi32, #tpu.memory_space<hbm>> -> memref<80x128xi32, #tpu.memory_space<hbm>>
      %dma_start3A_18 = arith.constant 0 : i32
      %dma_start3A_19 = arith.constant 0 : i32
      %dma_start3A_20 = tpu.memref_slice %arg3[%add3A, %dma_start3A_18, %dma_start3A_19] : memref<32x80x128xi32, #tpu.memory_space<hbm>> -> memref<1x80x128xi32, #tpu.memory_space<hbm>>
      %dma_start3A_21 = tpu.memref_squeeze %dma_start3A_20 : memref<1x80x128xi32, #tpu.memory_space<hbm>> -> memref<80x128xi32, #tpu.memory_space<hbm>>
      tpu.enqueue_dma source(%dma_start3A_21 : memref<80x128xi32, #tpu.memory_space<hbm>>) target(%arg7 : memref<80x128xi32, #tpu.memory_space<vmem>>) target_semaphore(%run_scoped3A : memref<!tpu.dma_semaphore, #tpu.memory_space<semaphore_mem>>)
      %dma_wait3A = arith.constant 0 : i32
      %dma_wait3A_22 = arith.constant 0 : i32
      %dma_wait3A_23 = tpu.memref_slice %arg3[%add3A, %dma_wait3A, %dma_wait3A_22] : memref<32x80x128xi32, #tpu.memory_space<hbm>> -> memref<1x80x128xi32, #tpu.memory_space<hbm>>
      %dma_wait3A_24 = tpu.memref_squeeze %dma_wait3A_23 : memref<1x80x128xi32, #tpu.memory_space<hbm>> -> memref<80x128xi32, #tpu.memory_space<hbm>>
      %dma_wait3A_25 = arith.constant 0 : i32
      %dma_wait3A_26 = arith.constant 0 : i32
      %dma_wait3A_27 = tpu.memref_slice %arg3[%add3A, %dma_wait3A_25, %dma_wait3A_26] : memref<32x80x128xi32, #tpu.memory_space<hbm>> -> memref<1x80x128xi32, #tpu.memory_space<hbm>>
      %dma_wait3A_28 = tpu.memref_squeeze %dma_wait3A_27 : memref<1x80x128xi32, #tpu.memory_space<hbm>> -> memref<80x128xi32, #tpu.memory_space<hbm>>
      tpu.wait_dma2 semaphore(%run_scoped3A : memref<!tpu.dma_semaphore, #tpu.memory_space<semaphore_mem>>) src(%dma_wait3A_28 : memref<80x128xi32, #tpu.memory_space<hbm>>) dst(%arg7 : memref<80x128xi32, #tpu.memory_space<vmem>>)
      tpu.yield
    }) : () -> ()
    "tpu.region"() ({
      %run_scoped3A = tpu.sem_alloc : memref<!tpu.dma_semaphore, #tpu.memory_space<semaphore_mem>>
      %dma_start3A = arith.constant 0 : i32
      %dma_start3A_15 = arith.constant 0 : i32
      %dma_start3A_16 = tpu.memref_slice %arg4[%add3A, %dma_start3A, %dma_start3A_15] : memref<32x80x128xi32, #tpu.memory_space<hbm>> -> memref<1x80x128xi32, #tpu.memory_space<hbm>>
      %dma_start3A_17 = tpu.memref_squeeze %dma_start3A_16 : memref<1x80x128xi32, #tpu.memory_space<hbm>> -> memref<80x128xi32, #tpu.memory_space<hbm>>
      %dma_start3A_18 = arith.constant 0 : i32
      %dma_start3A_19 = arith.constant 0 : i32
      %dma_start3A_20 = tpu.memref_slice %arg4[%add3A, %dma_start3A_18, %dma_start3A_19] : memref<32x80x128xi32, #tpu.memory_space<hbm>> -> memref<1x80x128xi32, #tpu.memory_space<hbm>>
      %dma_start3A_21 = tpu.memref_squeeze %dma_start3A_20 : memref<1x80x128xi32, #tpu.memory_space<hbm>> -> memref<80x128xi32, #tpu.memory_space<hbm>>
      tpu.enqueue_dma source(%dma_start3A_21 : memref<80x128xi32, #tpu.memory_space<hbm>>) target(%arg8 : memref<80x128xi32, #tpu.memory_space<vmem>>) target_semaphore(%run_scoped3A : memref<!tpu.dma_semaphore, #tpu.memory_space<semaphore_mem>>)
      %dma_wait3A = arith.constant 0 : i32
      %dma_wait3A_22 = arith.constant 0 : i32
      %dma_wait3A_23 = tpu.memref_slice %arg4[%add3A, %dma_wait3A, %dma_wait3A_22] : memref<32x80x128xi32, #tpu.memory_space<hbm>> -> memref<1x80x128xi32, #tpu.memory_space<hbm>>
      %dma_wait3A_24 = tpu.memref_squeeze %dma_wait3A_23 : memref<1x80x128xi32, #tpu.memory_space<hbm>> -> memref<80x128xi32, #tpu.memory_space<hbm>>
      %dma_wait3A_25 = arith.constant 0 : i32
      %dma_wait3A_26 = arith.constant 0 : i32
      %dma_wait3A_27 = tpu.memref_slice %arg4[%add3A, %dma_wait3A_25, %dma_wait3A_26] : memref<32x80x128xi32, #tpu.memory_space<hbm>> -> memref<1x80x128xi32, #tpu.memory_space<hbm>>
      %dma_wait3A_28 = tpu.memref_squeeze %dma_wait3A_27 : memref<1x80x128xi32, #tpu.memory_space<hbm>> -> memref<80x128xi32, #tpu.memory_space<hbm>>
      tpu.wait_dma2 semaphore(%run_scoped3A : memref<!tpu.dma_semaphore, #tpu.memory_space<semaphore_mem>>) src(%dma_wait3A_28 : memref<80x128xi32, #tpu.memory_space<hbm>>) dst(%arg8 : memref<80x128xi32, #tpu.memory_space<vmem>>)
      tpu.yield
    }) : () -> ()
    %barrier3A = arith.constant 0 : index
    tpu.barrier barrier_id(%barrier3A)
    %scan3A = arith.constant 0 : i32
    %scan3A_5 = arith.constant 0 : i32
    %scan3A_6 = arith.constant 80 : i32
    %scan3A_7 = arith.addi %scan3A_5, %scan3A_6 : i32
    %scan3A_8 = arith.constant 1 : i32
    scf.for %scan3A_15 = %scan3A_5 to %scan3A_7 step %scan3A_8  : i32 {
      "tpu.region"() ({
        %run_scoped3A = tpu.sem_alloc : memref<!tpu.dma_semaphore, #tpu.memory_space<semaphore_mem>>
        %dma_start3A = arith.constant 0 : i32
        %dma_start3A_16 = tpu.memref_slice %arg7[%scan3A_15, %dma_start3A] : memref<80x128xi32, #tpu.memory_space<vmem>> -> memref<1x128xi32, #tpu.memory_space<vmem>>
        %dma_start3A_17 = tpu.memref_squeeze %dma_start3A_16 : memref<1x128xi32, #tpu.memory_space<vmem>> -> memref<128xi32, #tpu.memory_space<vmem>>
        %dma_start3A_18 = arith.constant 0 : i32
        %dma_start3A_19 = arith.constant 0 : i32
        %dma_start3A_20 = tpu.memref_slice %arg2[%dma_start3A_18, %dma_start3A_19] : memref<10240x1xf32, #tpu.memory_space<hbm>> -> memref<10240x1xf32, #tpu.memory_space<hbm>>
        tpu.enqueue_indirect_dma source(%dma_start3A_20 : memref<10240x1xf32, #tpu.memory_space<hbm>>) target(%arg9 : memref<128x1xf32, #tpu.memory_space<vmem>>) offsets(%dma_start3A_17 : memref<128xi32, #tpu.memory_space<vmem>>) semaphore(%run_scoped3A : memref<!tpu.dma_semaphore, #tpu.memory_space<semaphore_mem>>)
        %dma_wait3A = arith.constant 0 : i32
        %dma_wait3A_21 = tpu.memref_slice %arg7[%scan3A_15, %dma_wait3A] : memref<80x128xi32, #tpu.memory_space<vmem>> -> memref<1x128xi32, #tpu.memory_space<vmem>>
        %dma_wait3A_22 = tpu.memref_squeeze %dma_wait3A_21 : memref<1x128xi32, #tpu.memory_space<vmem>> -> memref<128xi32, #tpu.memory_space<vmem>>
        %dma_wait3A_23 = arith.constant 0 : i32
        %dma_wait3A_24 = arith.constant 0 : i32
        %dma_wait3A_25 = tpu.memref_slice %arg2[%dma_wait3A_23, %dma_wait3A_24] : memref<10240x1xf32, #tpu.memory_space<hbm>> -> memref<10240x1xf32, #tpu.memory_space<hbm>>
        tpu.wait_indirect_dma semaphore(%run_scoped3A : memref<!tpu.dma_semaphore, #tpu.memory_space<semaphore_mem>>) src(%dma_wait3A_25 : memref<10240x1xf32, #tpu.memory_space<hbm>>) dst(%arg9 : memref<128x1xf32, #tpu.memory_space<vmem>>)
        tpu.yield
      }) : () -> ()
      "tpu.region"() ({
        %run_scoped3A = tpu.sem_alloc : memref<!tpu.dma_semaphore, #tpu.memory_space<semaphore_mem>>
        %dma_start3A = arith.constant 0 : i32
        %dma_start3A_16 = tpu.memref_slice %arg8[%scan3A_15, %dma_start3A] : memref<80x128xi32, #tpu.memory_space<vmem>> -> memref<1x128xi32, #tpu.memory_space<vmem>>
        %dma_start3A_17 = tpu.memref_squeeze %dma_start3A_16 : memref<1x128xi32, #tpu.memory_space<vmem>> -> memref<128xi32, #tpu.memory_space<vmem>>
        %dma_start3A_18 = arith.constant 0 : i32
        %dma_start3A_19 = arith.constant 0 : i32
        %dma_start3A_20 = tpu.memref_slice %arg10[%dma_start3A_18, %dma_start3A_19] : memref<10240x1xf32, #tpu.memory_space<vmem_shared>> -> memref<10240x1xf32, #tpu.memory_space<vmem_shared>>
        tpu.enqueue_indirect_dma source(%arg9 : memref<128x1xf32, #tpu.memory_space<vmem>>) target(%dma_start3A_20 : memref<10240x1xf32, #tpu.memory_space<vmem_shared>>) offsets(%dma_start3A_17 : memref<128xi32, #tpu.memory_space<vmem>>) semaphore(%run_scoped3A : memref<!tpu.dma_semaphore, #tpu.memory_space<semaphore_mem>>) {add = true}
        %dma_wait3A = arith.constant 0 : i32
        %dma_wait3A_21 = tpu.memref_slice %arg8[%scan3A_15, %dma_wait3A] : memref<80x128xi32, #tpu.memory_space<vmem>> -> memref<1x128xi32, #tpu.memory_space<vmem>>
        %dma_wait3A_22 = tpu.memref_squeeze %dma_wait3A_21 : memref<1x128xi32, #tpu.memory_space<vmem>> -> memref<128xi32, #tpu.memory_space<vmem>>
        %dma_wait3A_23 = arith.constant 0 : i32
        %dma_wait3A_24 = arith.constant 0 : i32
        %dma_wait3A_25 = tpu.memref_slice %arg10[%dma_wait3A_23, %dma_wait3A_24] : memref<10240x1xf32, #tpu.memory_space<vmem_shared>> -> memref<10240x1xf32, #tpu.memory_space<vmem_shared>>
        tpu.wait_indirect_dma semaphore(%run_scoped3A : memref<!tpu.dma_semaphore, #tpu.memory_space<semaphore_mem>>) src(%arg9 : memref<128x1xf32, #tpu.memory_space<vmem>>) dst(%dma_wait3A_25 : memref<10240x1xf32, #tpu.memory_space<vmem_shared>>)
        tpu.yield
      }) : () -> ()
    }
    %scan3A_9 = arith.constant 80 : i32
    %barrier3A_10 = arith.constant 0 : index
    tpu.barrier barrier_id(%barrier3A_10)
    %mul3A_11 = arith.constant 640 : i32
    %mul3A_12 = arith.muli %arg1, %mul3A_11 : i32
    %mul3A_13 = arith.constant 640 : i32
    %mul3A_14 = arith.muli %arg1, %mul3A_13 : i32
    "tpu.region"() ({
      %run_scoped3A = tpu.sem_alloc : memref<!tpu.dma_semaphore, #tpu.memory_space<semaphore_mem>>
      %dma_start3A = arith.constant 0 : i32
      %dma_start3A_15 = arith.constant 0 : i32
      %dma_start3A_16 = tpu.memref_slice %arg6[%arg0, %dma_start3A, %dma_start3A_15] : memref<2x10240x1xf32, #tpu.memory_space<hbm>> -> memref<1x10240x1xf32, #tpu.memory_space<hbm>>
      %dma_start3A_17 = tpu.memref_squeeze %dma_start3A_16 : memref<1x10240x1xf32, #tpu.memory_space<hbm>> -> memref<10240x1xf32, #tpu.memory_space<hbm>>
      %dma_start3A_18 = arith.constant 0 : i32
      %dma_start3A_19 = tpu.memref_slice %dma_start3A_17[%mul3A_14, %dma_start3A_18] : memref<10240x1xf32, #tpu.memory_space<hbm>> -> memref<640x1xf32, #tpu.memory_space<hbm>>
      %dma_start3A_20 = arith.constant 0 : i32
      %dma_start3A_21 = tpu.memref_slice %arg10[%mul3A_12, %dma_start3A_20] : memref<10240x1xf32, #tpu.memory_space<vmem_shared>> -> memref<640x1xf32, #tpu.memory_space<vmem_shared>>
      tpu.enqueue_dma source(%dma_start3A_21 : memref<640x1xf32, #tpu.memory_space<vmem_shared>>) target(%dma_start3A_19 : memref<640x1xf32, #tpu.memory_space<hbm>>) target_semaphore(%run_scoped3A : memref<!tpu.dma_semaphore, #tpu.memory_space<semaphore_mem>>)
      %dma_wait3A = arith.constant 0 : i32
      %dma_wait3A_22 = arith.constant 0 : i32
      %dma_wait3A_23 = tpu.memref_slice %arg6[%arg0, %dma_wait3A, %dma_wait3A_22] : memref<2x10240x1xf32, #tpu.memory_space<hbm>> -> memref<1x10240x1xf32, #tpu.memory_space<hbm>>
      %dma_wait3A_24 = tpu.memref_squeeze %dma_wait3A_23 : memref<1x10240x1xf32, #tpu.memory_space<hbm>> -> memref<10240x1xf32, #tpu.memory_space<hbm>>
      %dma_wait3A_25 = arith.constant 0 : i32
      %dma_wait3A_26 = tpu.memref_slice %dma_wait3A_24[%mul3A_14, %dma_wait3A_25] : memref<10240x1xf32, #tpu.memory_space<hbm>> -> memref<640x1xf32, #tpu.memory_space<hbm>>
      %dma_wait3A_27 = arith.constant 0 : i32
      %dma_wait3A_28 = tpu.memref_slice %arg10[%mul3A_12, %dma_wait3A_27] : memref<10240x1xf32, #tpu.memory_space<vmem_shared>> -> memref<640x1xf32, #tpu.memory_space<vmem_shared>>
      tpu.wait_dma2 semaphore(%run_scoped3A : memref<!tpu.dma_semaphore, #tpu.memory_space<semaphore_mem>>) src(%dma_wait3A_28 : memref<640x1xf32, #tpu.memory_space<vmem_shared>>) dst(%dma_wait3A_26 : memref<640x1xf32, #tpu.memory_space<hbm>>)
      tpu.yield
    }) : () -> ()
    return
  }
}

#map = affine_map<(d0, d1) -> (0, 0)>
#map1 = affine_map<(d0, d1) -> (0, 0, 0)>
module attributes {stable_mosaic.version = 14 : i64} {
  func.func @agg(%arg0: i32, %arg1: i32, %arg2: memref<10240x1xf32, #tpu.memory_space<hbm>>, %arg3: memref<32x80x128xi32, #tpu.memory_space<hbm>>, %arg4: memref<32x80x128xi32, #tpu.memory_space<hbm>>, %arg5: memref<10240x1xf32, #tpu.memory_space<hbm>>, %arg6: memref<2x10240x1xf32, #tpu.memory_space<hbm>>, %arg7: memref<80x128xi32, #tpu.memory_space<vmem>>, %arg8: memref<80x128xi32, #tpu.memory_space<vmem>>, %arg9: memref<128x1xf32, #tpu.memory_space<vmem>>, %arg10: memref<10240x1xf32, #tpu.memory_space<vmem_shared>>) attributes {dimension_semantics = [#tpu.dimension_semantics<core_parallel>, #tpu.dimension_semantics<subcore_parallel>], iteration_bounds = array<i64: 2, 16>, scalar_prefetch = 0 : i64, scratch_operands = 4 : i64, tpu.core_type = #tpu.core_type<sc_vector_subcore>, window_params = [{transform_indices = #map}, {transform_indices = #map1}, {transform_indices = #map1}, {transform_indices = #map}, {transform_indices = #map1}]} {
    %mul3A = arith.constant 16 : i32
    %mul3A_0 = arith.muli %arg0, %mul3A : i32
    %add3A = arith.addi %mul3A_0, %arg1 : i32
    %mul3A_1 = arith.constant 640 : i32
    %mul3A_2 = arith.muli %arg1, %mul3A_1 : i32
    %mul3A_3 = arith.constant 640 : i32
    %mul3A_4 = arith.muli %arg1, %mul3A_3 : i32
    "tpu.region"() ({
      %run_scoped3A = tpu.sem_alloc : memref<!tpu.dma_semaphore, #tpu.memory_space<semaphore_mem>>
      %dma_start3A = arith.constant 0 : i32
      %dma_start3A_15 = tpu.memref_slice %arg10[%mul3A_4, %dma_start3A] : memref<10240x1xf32, #tpu.memory_space<vmem_shared>> -> memref<640x1xf32, #tpu.memory_space<vmem_shared>>
      %dma_start3A_16 = arith.constant 0 : i32
      %dma_start3A_17 = tpu.memref_slice %arg5[%mul3A_2, %dma_start3A_16] : memref<10240x1xf32, #tpu.memory_space<hbm>> -> memref<640x1xf32, #tpu.memory_space<hbm>>
      tpu.enqueue_dma source(%dma_start3A_17 : memref<640x1xf32, #tpu.memory_space<hbm>>) target(%dma_start3A_15 : memref<640x1xf32, #tpu.memory_space<vmem_shared>>) target_semaphore(%run_scoped3A : memref<!tpu.dma_semaphore, #tpu.memory_space<semaphore_mem>>)
      %dma_wait3A = arith.constant 0 : i32
      %dma_wait3A_18 = tpu.memref_slice %arg10[%mul3A_4, %dma_wait3A] : memref<10240x1xf32, #tpu.memory_space<vmem_shared>> -> memref<640x1xf32, #tpu.memory_space<vmem_shared>>
      %dma_wait3A_19 = arith.constant 0 : i32
      %dma_wait3A_20 = tpu.memref_slice %arg5[%mul3A_2, %dma_wait3A_19] : memref<10240x1xf32, #tpu.memory_space<hbm>> -> memref<640x1xf32, #tpu.memory_space<hbm>>
      tpu.wait_dma2 semaphore(%run_scoped3A : memref<!tpu.dma_semaphore, #tpu.memory_space<semaphore_mem>>) src(%dma_wait3A_20 : memref<640x1xf32, #tpu.memory_space<hbm>>) dst(%dma_wait3A_18 : memref<640x1xf32, #tpu.memory_space<vmem_shared>>)
      tpu.yield
    }) : () -> ()
    "tpu.region"() ({
      %run_scoped3A = tpu.sem_alloc : memref<!tpu.dma_semaphore, #tpu.memory_space<semaphore_mem>>
      %dma_start3A = arith.constant 0 : i32
      %dma_start3A_15 = arith.constant 0 : i32
      %dma_start3A_16 = tpu.memref_slice %arg3[%add3A, %dma_start3A, %dma_start3A_15] : memref<32x80x128xi32, #tpu.memory_space<hbm>> -> memref<1x80x128xi32, #tpu.memory_space<hbm>>
      %dma_start3A_17 = tpu.memref_squeeze %dma_start3A_16 : memref<1x80x128xi32, #tpu.memory_space<hbm>> -> memref<80x128xi32, #tpu.memory_space<hbm>>
      %dma_start3A_18 = arith.constant 0 : i32
      %dma_start3A_19 = arith.constant 0 : i32
      %dma_start3A_20 = tpu.memref_slice %arg3[%add3A, %dma_start3A_18, %dma_start3A_19] : memref<32x80x128xi32, #tpu.memory_space<hbm>> -> memref<1x80x128xi32, #tpu.memory_space<hbm>>
      %dma_start3A_21 = tpu.memref_squeeze %dma_start3A_20 : memref<1x80x128xi32, #tpu.memory_space<hbm>> -> memref<80x128xi32, #tpu.memory_space<hbm>>
      tpu.enqueue_dma source(%dma_start3A_21 : memref<80x128xi32, #tpu.memory_space<hbm>>) target(%arg7 : memref<80x128xi32, #tpu.memory_space<vmem>>) target_semaphore(%run_scoped3A : memref<!tpu.dma_semaphore, #tpu.memory_space<semaphore_mem>>)
      %dma_wait3A = arith.constant 0 : i32
      %dma_wait3A_22 = arith.constant 0 : i32
      %dma_wait3A_23 = tpu.memref_slice %arg3[%add3A, %dma_wait3A, %dma_wait3A_22] : memref<32x80x128xi32, #tpu.memory_space<hbm>> -> memref<1x80x128xi32, #tpu.memory_space<hbm>>
      %dma_wait3A_24 = tpu.memref_squeeze %dma_wait3A_23 : memref<1x80x128xi32, #tpu.memory_space<hbm>> -> memref<80x128xi32, #tpu.memory_space<hbm>>
      %dma_wait3A_25 = arith.constant 0 : i32
      %dma_wait3A_26 = arith.constant 0 : i32
      %dma_wait3A_27 = tpu.memref_slice %arg3[%add3A, %dma_wait3A_25, %dma_wait3A_26] : memref<32x80x128xi32, #tpu.memory_space<hbm>> -> memref<1x80x128xi32, #tpu.memory_space<hbm>>
      %dma_wait3A_28 = tpu.memref_squeeze %dma_wait3A_27 : memref<1x80x128xi32, #tpu.memory_space<hbm>> -> memref<80x128xi32, #tpu.memory_space<hbm>>
      tpu.wait_dma2 semaphore(%run_scoped3A : memref<!tpu.dma_semaphore, #tpu.memory_space<semaphore_mem>>) src(%dma_wait3A_28 : memref<80x128xi32, #tpu.memory_space<hbm>>) dst(%arg7 : memref<80x128xi32, #tpu.memory_space<vmem>>)
      tpu.yield
    }) : () -> ()
    "tpu.region"() ({
      %run_scoped3A = tpu.sem_alloc : memref<!tpu.dma_semaphore, #tpu.memory_space<semaphore_mem>>
      %dma_start3A = arith.constant 0 : i32
      %dma_start3A_15 = arith.constant 0 : i32
      %dma_start3A_16 = tpu.memref_slice %arg4[%add3A, %dma_start3A, %dma_start3A_15] : memref<32x80x128xi32, #tpu.memory_space<hbm>> -> memref<1x80x128xi32, #tpu.memory_space<hbm>>
      %dma_start3A_17 = tpu.memref_squeeze %dma_start3A_16 : memref<1x80x128xi32, #tpu.memory_space<hbm>> -> memref<80x128xi32, #tpu.memory_space<hbm>>
      %dma_start3A_18 = arith.constant 0 : i32
      %dma_start3A_19 = arith.constant 0 : i32
      %dma_start3A_20 = tpu.memref_slice %arg4[%add3A, %dma_start3A_18, %dma_start3A_19] : memref<32x80x128xi32, #tpu.memory_space<hbm>> -> memref<1x80x128xi32, #tpu.memory_space<hbm>>
      %dma_start3A_21 = tpu.memref_squeeze %dma_start3A_20 : memref<1x80x128xi32, #tpu.memory_space<hbm>> -> memref<80x128xi32, #tpu.memory_space<hbm>>
      tpu.enqueue_dma source(%dma_start3A_21 : memref<80x128xi32, #tpu.memory_space<hbm>>) target(%arg8 : memref<80x128xi32, #tpu.memory_space<vmem>>) target_semaphore(%run_scoped3A : memref<!tpu.dma_semaphore, #tpu.memory_space<semaphore_mem>>)
      %dma_wait3A = arith.constant 0 : i32
      %dma_wait3A_22 = arith.constant 0 : i32
      %dma_wait3A_23 = tpu.memref_slice %arg4[%add3A, %dma_wait3A, %dma_wait3A_22] : memref<32x80x128xi32, #tpu.memory_space<hbm>> -> memref<1x80x128xi32, #tpu.memory_space<hbm>>
      %dma_wait3A_24 = tpu.memref_squeeze %dma_wait3A_23 : memref<1x80x128xi32, #tpu.memory_space<hbm>> -> memref<80x128xi32, #tpu.memory_space<hbm>>
      %dma_wait3A_25 = arith.constant 0 : i32
      %dma_wait3A_26 = arith.constant 0 : i32
      %dma_wait3A_27 = tpu.memref_slice %arg4[%add3A, %dma_wait3A_25, %dma_wait3A_26] : memref<32x80x128xi32, #tpu.memory_space<hbm>> -> memref<1x80x128xi32, #tpu.memory_space<hbm>>
      %dma_wait3A_28 = tpu.memref_squeeze %dma_wait3A_27 : memref<1x80x128xi32, #tpu.memory_space<hbm>> -> memref<80x128xi32, #tpu.memory_space<hbm>>
      tpu.wait_dma2 semaphore(%run_scoped3A : memref<!tpu.dma_semaphore, #tpu.memory_space<semaphore_mem>>) src(%dma_wait3A_28 : memref<80x128xi32, #tpu.memory_space<hbm>>) dst(%arg8 : memref<80x128xi32, #tpu.memory_space<vmem>>)
      tpu.yield
    }) : () -> ()
    %barrier3A = arith.constant 0 : index
    tpu.barrier barrier_id(%barrier3A)
    %scan3A = arith.constant 0 : i32
    %scan3A_5 = arith.constant 0 : i32
    %scan3A_6 = arith.constant 80 : i32
    %scan3A_7 = arith.addi %scan3A_5, %scan3A_6 : i32
    %scan3A_8 = arith.constant 1 : i32
    scf.for %scan3A_15 = %scan3A_5 to %scan3A_7 step %scan3A_8  : i32 {
      "tpu.region"() ({
        %run_scoped3A = tpu.sem_alloc : memref<!tpu.dma_semaphore, #tpu.memory_space<semaphore_mem>>
        %dma_start3A = arith.constant 0 : i32
        %dma_start3A_16 = tpu.memref_slice %arg7[%scan3A_15, %dma_start3A] : memref<80x128xi32, #tpu.memory_space<vmem>> -> memref<1x128xi32, #tpu.memory_space<vmem>>
        %dma_start3A_17 = tpu.memref_squeeze %dma_start3A_16 : memref<1x128xi32, #tpu.memory_space<vmem>> -> memref<128xi32, #tpu.memory_space<vmem>>
        %dma_start3A_18 = arith.constant 0 : i32
        %dma_start3A_19 = arith.constant 0 : i32
        %dma_start3A_20 = tpu.memref_slice %arg2[%dma_start3A_18, %dma_start3A_19] : memref<10240x1xf32, #tpu.memory_space<hbm>> -> memref<10240x1xf32, #tpu.memory_space<hbm>>
        tpu.enqueue_indirect_dma source(%dma_start3A_20 : memref<10240x1xf32, #tpu.memory_space<hbm>>) target(%arg9 : memref<128x1xf32, #tpu.memory_space<vmem>>) offsets(%dma_start3A_17 : memref<128xi32, #tpu.memory_space<vmem>>) semaphore(%run_scoped3A : memref<!tpu.dma_semaphore, #tpu.memory_space<semaphore_mem>>)
        %dma_wait3A = arith.constant 0 : i32
        %dma_wait3A_21 = tpu.memref_slice %arg7[%scan3A_15, %dma_wait3A] : memref<80x128xi32, #tpu.memory_space<vmem>> -> memref<1x128xi32, #tpu.memory_space<vmem>>
        %dma_wait3A_22 = tpu.memref_squeeze %dma_wait3A_21 : memref<1x128xi32, #tpu.memory_space<vmem>> -> memref<128xi32, #tpu.memory_space<vmem>>
        %dma_wait3A_23 = arith.constant 0 : i32
        %dma_wait3A_24 = arith.constant 0 : i32
        %dma_wait3A_25 = tpu.memref_slice %arg2[%dma_wait3A_23, %dma_wait3A_24] : memref<10240x1xf32, #tpu.memory_space<hbm>> -> memref<10240x1xf32, #tpu.memory_space<hbm>>
        tpu.wait_indirect_dma semaphore(%run_scoped3A : memref<!tpu.dma_semaphore, #tpu.memory_space<semaphore_mem>>) src(%dma_wait3A_25 : memref<10240x1xf32, #tpu.memory_space<hbm>>) dst(%arg9 : memref<128x1xf32, #tpu.memory_space<vmem>>)
        tpu.yield
      }) : () -> ()
      "tpu.region"() ({
        %run_scoped3A = tpu.sem_alloc : memref<!tpu.dma_semaphore, #tpu.memory_space<semaphore_mem>>
        %dma_start3A = arith.constant 0 : i32
        %dma_start3A_16 = tpu.memref_slice %arg8[%scan3A_15, %dma_start3A] : memref<80x128xi32, #tpu.memory_space<vmem>> -> memref<1x128xi32, #tpu.memory_space<vmem>>
        %dma_start3A_17 = tpu.memref_squeeze %dma_start3A_16 : memref<1x128xi32, #tpu.memory_space<vmem>> -> memref<128xi32, #tpu.memory_space<vmem>>
        %dma_start3A_18 = arith.constant 0 : i32
        %dma_start3A_19 = arith.constant 0 : i32
        %dma_start3A_20 = tpu.memref_slice %arg10[%dma_start3A_18, %dma_start3A_19] : memref<10240x1xf32, #tpu.memory_space<vmem_shared>> -> memref<10240x1xf32, #tpu.memory_space<vmem_shared>>
        tpu.enqueue_indirect_dma source(%arg9 : memref<128x1xf32, #tpu.memory_space<vmem>>) target(%dma_start3A_20 : memref<10240x1xf32, #tpu.memory_space<vmem_shared>>) offsets(%dma_start3A_17 : memref<128xi32, #tpu.memory_space<vmem>>) semaphore(%run_scoped3A : memref<!tpu.dma_semaphore, #tpu.memory_space<semaphore_mem>>) {add = true}
        %dma_wait3A = arith.constant 0 : i32
        %dma_wait3A_21 = tpu.memref_slice %arg8[%scan3A_15, %dma_wait3A] : memref<80x128xi32, #tpu.memory_space<vmem>> -> memref<1x128xi32, #tpu.memory_space<vmem>>
        %dma_wait3A_22 = tpu.memref_squeeze %dma_wait3A_21 : memref<1x128xi32, #tpu.memory_space<vmem>> -> memref<128xi32, #tpu.memory_space<vmem>>
        %dma_wait3A_23 = arith.constant 0 : i32
        %dma_wait3A_24 = arith.constant 0 : i32
        %dma_wait3A_25 = tpu.memref_slice %arg10[%dma_wait3A_23, %dma_wait3A_24] : memref<10240x1xf32, #tpu.memory_space<vmem_shared>> -> memref<10240x1xf32, #tpu.memory_space<vmem_shared>>
        tpu.wait_indirect_dma semaphore(%run_scoped3A : memref<!tpu.dma_semaphore, #tpu.memory_space<semaphore_mem>>) src(%arg9 : memref<128x1xf32, #tpu.memory_space<vmem>>) dst(%dma_wait3A_25 : memref<10240x1xf32, #tpu.memory_space<vmem_shared>>)
        tpu.yield
      }) : () -> ()
    }
    %scan3A_9 = arith.constant 80 : i32
    %barrier3A_10 = arith.constant 0 : index
    tpu.barrier barrier_id(%barrier3A_10)
    %mul3A_11 = arith.constant 640 : i32
    %mul3A_12 = arith.muli %arg1, %mul3A_11 : i32
    %mul3A_13 = arith.constant 640 : i32
    %mul3A_14 = arith.muli %arg1, %mul3A_13 : i32
    "tpu.region"() ({
      %run_scoped3A = tpu.sem_alloc : memref<!tpu.dma_semaphore, #tpu.memory_space<semaphore_mem>>
      %dma_start3A = arith.constant 0 : i32
      %dma_start3A_15 = arith.constant 0 : i32
      %dma_start3A_16 = tpu.memref_slice %arg6[%arg0, %dma_start3A, %dma_start3A_15] : memref<2x10240x1xf32, #tpu.memory_space<hbm>> -> memref<1x10240x1xf32, #tpu.memory_space<hbm>>
      %dma_start3A_17 = tpu.memref_squeeze %dma_start3A_16 : memref<1x10240x1xf32, #tpu.memory_space<hbm>> -> memref<10240x1xf32, #tpu.memory_space<hbm>>
      %dma_start3A_18 = arith.constant 0 : i32
      %dma_start3A_19 = tpu.memref_slice %dma_start3A_17[%mul3A_14, %dma_start3A_18] : memref<10240x1xf32, #tpu.memory_space<hbm>> -> memref<640x1xf32, #tpu.memory_space<hbm>>
      %dma_start3A_20 = arith.constant 0 : i32
      %dma_start3A_21 = tpu.memref_slice %arg10[%mul3A_12, %dma_start3A_20] : memref<10240x1xf32, #tpu.memory_space<vmem_shared>> -> memref<640x1xf32, #tpu.memory_space<vmem_shared>>
      tpu.enqueue_dma source(%dma_start3A_21 : memref<640x1xf32, #tpu.memory_space<vmem_shared>>) target(%dma_start3A_19 : memref<640x1xf32, #tpu.memory_space<hbm>>) target_semaphore(%run_scoped3A : memref<!tpu.dma_semaphore, #tpu.memory_space<semaphore_mem>>)
      %dma_wait3A = arith.constant 0 : i32
      %dma_wait3A_22 = arith.constant 0 : i32
      %dma_wait3A_23 = tpu.memref_slice %arg6[%arg0, %dma_wait3A, %dma_wait3A_22] : memref<2x10240x1xf32, #tpu.memory_space<hbm>> -> memref<1x10240x1xf32, #tpu.memory_space<hbm>>
      %dma_wait3A_24 = tpu.memref_squeeze %dma_wait3A_23 : memref<1x10240x1xf32, #tpu.memory_space<hbm>> -> memref<10240x1xf32, #tpu.memory_space<hbm>>
      %dma_wait3A_25 = arith.constant 0 : i32
      %dma_wait3A_26 = tpu.memref_slice %dma_wait3A_24[%mul3A_14, %dma_wait3A_25] : memref<10240x1xf32, #tpu.memory_space<hbm>> -> memref<640x1xf32, #tpu.memory_space<hbm>>
      %dma_wait3A_27 = arith.constant 0 : i32
      %dma_wait3A_28 = tpu.memref_slice %arg10[%mul3A_12, %dma_wait3A_27] : memref<10240x1xf32, #tpu.memory_space<vmem_shared>> -> memref<640x1xf32, #tpu.memory_space<vmem_shared>>
      tpu.wait_dma2 semaphore(%run_scoped3A : memref<!tpu.dma_semaphore, #tpu.memory_space<semaphore_mem>>) src(%dma_wait3A_28 : memref<640x1xf32, #tpu.memory_space<vmem_shared>>) dst(%dma_wait3A_26 : memref<640x1xf32, #tpu.memory_space<hbm>>)
      tpu.yield
    }) : () -> ()
    return
  }
}

module attributes {stable_mosaic.version = 14 : i64} {
  func.func @_mm1_body(%arg0: memref<10000x128xf32, #tpu.memory_space<vmem>>, %arg1: memref<128x64xf32, #tpu.memory_space<vmem>>, %arg2: memref<2x10240x1xf32, #tpu.memory_space<vmem>>, %arg3: memref<10240x64xf32, #tpu.memory_space<vmem>>, %arg4: memref<10000x1xf32, #tpu.memory_space<vmem>>) attributes {dimension_semantics = [], scalar_prefetch = 0 : i64, scratch_operands = 0 : i64, tpu.core_type = #tpu.core_type<tc>} {
    %get3A = arith.constant 0 : index
    %get3A_0 = arith.constant 0 : index
    %get3A_1 = arith.constant 0 : index
    %get3A_2 = vector.load %arg2[%get3A, %get3A_0, %get3A_1] : memref<2x10240x1xf32, #tpu.memory_space<vmem>>, vector<1x10000x1xf32>
    %get3A_3 = vector.shape_cast %get3A_2 : vector<1x10000x1xf32> to vector<10000x1xf32>
    %get3A_4 = arith.constant 1 : index
    %get3A_5 = arith.constant 0 : index
    %get3A_6 = arith.constant 0 : index
    %get3A_7 = vector.load %arg2[%get3A_4, %get3A_5, %get3A_6] : memref<2x10240x1xf32, #tpu.memory_space<vmem>>, vector<1x10000x1xf32>
    %get3A_8 = vector.shape_cast %get3A_7 : vector<1x10000x1xf32> to vector<10000x1xf32>
    %add3A = arith.addf %get3A_3, %get3A_8 : vector<10000x1xf32>
    %add3A_9 = arith.constant 1.000000e+00 : f32
    %add3A_10 = vector.broadcast %add3A_9 : f32 to vector<10000x1xf32>
    %add3A_11 = arith.addf %add3A, %add3A_10 : vector<10000x1xf32>
    %rsqrt3A = math.rsqrt %add3A_11 : vector<10000x1xf32>
    %get3A_12 = arith.constant 0 : index
    %get3A_13 = arith.constant 0 : index
    %get3A_14 = vector.load %arg0[%get3A_12, %get3A_13] : memref<10000x128xf32, #tpu.memory_space<vmem>>, vector<10000x128xf32>
    %get3A_15 = arith.constant 0 : index
    %get3A_16 = arith.constant 0 : index
    %get3A_17 = vector.load %arg1[%get3A_15, %get3A_16] : memref<128x64xf32, #tpu.memory_space<vmem>>, vector<128x64xf32>
    %dot_general3A = arith.constant dense<0.000000e+00> : vector<10000x64xf32>
    %dot_general3A_18 = tpu.matmul %get3A_14, %get3A_17, %dot_general3A {dimension_numbers = #tpu.dot_dimension_numbers<[1], [0], [0], [1], [0, 0, 1, 1], [], []>, transpose_lhs_hint = false} : vector<10000x128xf32>, vector<128x64xf32>, vector<10000x64xf32> -> vector<10000x64xf32>
    %mul3A = vector.broadcast %rsqrt3A : vector<10000x1xf32> to vector<10000x64xf32>
    %mul3A_19 = arith.mulf %dot_general3A_18, %mul3A : vector<10000x64xf32>
    %swap3A = arith.constant 0 : index
    %swap3A_20 = arith.constant 0 : index
    %swap3A_21 = vector.load %arg3[%swap3A, %swap3A_20] : memref<10240x64xf32, #tpu.memory_space<vmem>>, vector<10000x64xf32>
    tpu.vector_store %arg3[%swap3A, %swap3A_20], %mul3A_19 {strides = array<i32>} : memref<10240x64xf32, #tpu.memory_space<vmem>>, vector<10000x64xf32>,
    %broadcast_in_dim3A = arith.constant 0.000000e+00 : f32
    %broadcast_in_dim3A_22 = vector.broadcast %broadcast_in_dim3A : f32 to vector<240x64xf32>
    %swap3A_23 = arith.constant 10000 : index
    %swap3A_24 = arith.constant 0 : index
    %swap3A_25 = vector.load %arg3[%swap3A_23, %swap3A_24] : memref<10240x64xf32, #tpu.memory_space<vmem>>, vector<240x64xf32>
    tpu.vector_store %arg3[%swap3A_23, %swap3A_24], %broadcast_in_dim3A_22 {strides = array<i32>} : memref<10240x64xf32, #tpu.memory_space<vmem>>, vector<240x64xf32>,
    %swap3A_26 = arith.constant 0 : index
    %swap3A_27 = arith.constant 0 : index
    %swap3A_28 = vector.load %arg4[%swap3A_26, %swap3A_27] : memref<10000x1xf32, #tpu.memory_space<vmem>>, vector<10000x1xf32>
    tpu.vector_store %arg4[%swap3A_26, %swap3A_27], %rsqrt3A {strides = array<i32>} : memref<10000x1xf32, #tpu.memory_space<vmem>>, vector<10000x1xf32>,
    return
  }
}

module attributes {stable_mosaic.version = 14 : i64} {
  func.func @_mm2_body(%arg0: memref<2x10240x64xf32, #tpu.memory_space<vmem>>, %arg1: memref<10240x64xf32, #tpu.memory_space<vmem>>, %arg2: memref<10000x1xf32, #tpu.memory_space<vmem>>, %arg3: memref<64x1xf32, #tpu.memory_space<vmem>>, %arg4: memref<64xf32, #tpu.memory_space<vmem>>, %arg5: memref<10240x1xf32, #tpu.memory_space<vmem>>) attributes {dimension_semantics = [], scalar_prefetch = 0 : i64, scratch_operands = 0 : i64, tpu.core_type = #tpu.core_type<tc>} {
    %get3A = arith.constant 0 : index
    %get3A_0 = arith.constant 0 : index
    %get3A_1 = arith.constant 0 : index
    %get3A_2 = vector.load %arg0[%get3A, %get3A_0, %get3A_1] : memref<2x10240x64xf32, #tpu.memory_space<vmem>>, vector<1x10000x64xf32>
    %get3A_3 = vector.shape_cast %get3A_2 : vector<1x10000x64xf32> to vector<10000x64xf32>
    %get3A_4 = arith.constant 1 : index
    %get3A_5 = arith.constant 0 : index
    %get3A_6 = arith.constant 0 : index
    %get3A_7 = vector.load %arg0[%get3A_4, %get3A_5, %get3A_6] : memref<2x10240x64xf32, #tpu.memory_space<vmem>>, vector<1x10000x64xf32>
    %get3A_8 = vector.shape_cast %get3A_7 : vector<1x10000x64xf32> to vector<10000x64xf32>
    %add3A = arith.addf %get3A_3, %get3A_8 : vector<10000x64xf32>
    %get3A_9 = arith.constant 0 : index
    %get3A_10 = arith.constant 0 : index
    %get3A_11 = vector.load %arg1[%get3A_9, %get3A_10] : memref<10240x64xf32, #tpu.memory_space<vmem>>, vector<10000x64xf32>
    %add3A_12 = arith.addf %add3A, %get3A_11 : vector<10000x64xf32>
    %get3A_13 = arith.constant 0 : index
    %get3A_14 = arith.constant 0 : index
    %get3A_15 = vector.load %arg2[%get3A_13, %get3A_14] : memref<10000x1xf32, #tpu.memory_space<vmem>>, vector<10000x1xf32>
    %mul3A = vector.broadcast %get3A_15 : vector<10000x1xf32> to vector<10000x64xf32>
    %mul3A_16 = arith.mulf %add3A_12, %mul3A : vector<10000x64xf32>
    %get3A_17 = arith.constant 0 : index
    %get3A_18 = vector.load %arg4[%get3A_17] : memref<64xf32, #tpu.memory_space<vmem>>, vector<64xf32>
    %broadcast_in_dim3A = vector.shape_cast %get3A_18 : vector<64xf32> to vector<1x64xf32>
    %add3A_19 = vector.broadcast %broadcast_in_dim3A : vector<1x64xf32> to vector<10000x64xf32>
    %add3A_20 = arith.addf %mul3A_16, %add3A_19 : vector<10000x64xf32>
    %max3A = arith.constant 0.000000e+00 : f32
    %max3A_21 = vector.broadcast %max3A : f32 to vector<10000x64xf32>
    %max3A_22 = arith.maximumf %add3A_20, %max3A_21 : vector<10000x64xf32>
    %get3A_23 = arith.constant 0 : index
    %get3A_24 = arith.constant 0 : index
    %get3A_25 = vector.load %arg3[%get3A_23, %get3A_24] : memref<64x1xf32, #tpu.memory_space<vmem>>, vector<64x1xf32>
    %dot_general3A = arith.constant dense<0.000000e+00> : vector<10000x1xf32>
    %dot_general3A_26 = tpu.matmul %max3A_22, %get3A_25, %dot_general3A {dimension_numbers = #tpu.dot_dimension_numbers<[1], [0], [0], [1], [0, 0, 1, 1], [], []>, transpose_lhs_hint = false} : vector<10000x64xf32>, vector<64x1xf32>, vector<10000x1xf32> -> vector<10000x1xf32>
    %get3A_27 = arith.constant 0 : index
    %get3A_28 = arith.constant 0 : index
    %get3A_29 = vector.load %arg2[%get3A_27, %get3A_28] : memref<10000x1xf32, #tpu.memory_space<vmem>>, vector<10000x1xf32>
    %mul3A_30 = arith.mulf %dot_general3A_26, %get3A_29 : vector<10000x1xf32>
    %swap3A = arith.constant 0 : index
    %swap3A_31 = arith.constant 0 : index
    %swap3A_32 = vector.load %arg5[%swap3A, %swap3A_31] : memref<10240x1xf32, #tpu.memory_space<vmem>>, vector<10000x1xf32>
    tpu.vector_store %arg5[%swap3A, %swap3A_31], %mul3A_30 {strides = array<i32>} : memref<10240x1xf32, #tpu.memory_space<vmem>>, vector<10000x1xf32>,
    %broadcast_in_dim3A_33 = arith.constant 0.000000e+00 : f32
    %broadcast_in_dim3A_34 = vector.broadcast %broadcast_in_dim3A_33 : f32 to vector<240x1xf32>
    %swap3A_35 = arith.constant 10000 : index
    %swap3A_36 = arith.constant 0 : index
    %swap3A_37 = vector.load %arg5[%swap3A_35, %swap3A_36] : memref<10240x1xf32, #tpu.memory_space<vmem>>, vector<240x1xf32>
    tpu.vector_store %arg5[%swap3A_35, %swap3A_36], %broadcast_in_dim3A_34 {strides = array<i32>} : memref<10240x1xf32, #tpu.memory_space<vmem>>, vector<240x1xf32>,
    return
  }
}

module attributes {stable_mosaic.version = 14 : i64} {
  func.func @_fin_body(%arg0: memref<2x10240x1xf32, #tpu.memory_space<vmem>>, %arg1: memref<10240x1xf32, #tpu.memory_space<vmem>>, %arg2: memref<10000x1xf32, #tpu.memory_space<vmem>>, %arg3: memref<1xf32, #tpu.memory_space<vmem>>, %arg4: memref<10000x1xf32, #tpu.memory_space<vmem>>) attributes {dimension_semantics = [], scalar_prefetch = 0 : i64, scratch_operands = 0 : i64, tpu.core_type = #tpu.core_type<tc>} {
    %get3A = arith.constant 0 : index
    %get3A_0 = arith.constant 0 : index
    %get3A_1 = arith.constant 0 : index
    %get3A_2 = vector.load %arg0[%get3A, %get3A_0, %get3A_1] : memref<2x10240x1xf32, #tpu.memory_space<vmem>>, vector<1x10000x1xf32>
    %get3A_3 = vector.shape_cast %get3A_2 : vector<1x10000x1xf32> to vector<10000x1xf32>
    %get3A_4 = arith.constant 1 : index
    %get3A_5 = arith.constant 0 : index
    %get3A_6 = arith.constant 0 : index
    %get3A_7 = vector.load %arg0[%get3A_4, %get3A_5, %get3A_6] : memref<2x10240x1xf32, #tpu.memory_space<vmem>>, vector<1x10000x1xf32>
    %get3A_8 = vector.shape_cast %get3A_7 : vector<1x10000x1xf32> to vector<10000x1xf32>
    %add3A = arith.addf %get3A_3, %get3A_8 : vector<10000x1xf32>
    %get3A_9 = arith.constant 0 : index
    %get3A_10 = arith.constant 0 : index
    %get3A_11 = vector.load %arg1[%get3A_9, %get3A_10] : memref<10240x1xf32, #tpu.memory_space<vmem>>, vector<10000x1xf32>
    %add3A_12 = arith.addf %add3A, %get3A_11 : vector<10000x1xf32>
    %get3A_13 = arith.constant 0 : index
    %get3A_14 = arith.constant 0 : index
    %get3A_15 = vector.load %arg2[%get3A_13, %get3A_14] : memref<10000x1xf32, #tpu.memory_space<vmem>>, vector<10000x1xf32>
    %mul3A = arith.mulf %add3A_12, %get3A_15 : vector<10000x1xf32>
    %get3A_16 = arith.constant 0 : index
    %get3A_17 = vector.load %arg3[%get3A_16] : memref<1xf32, #tpu.memory_space<vmem>>, vector<1xf32>
    %broadcast_in_dim3A = vector.shape_cast %get3A_17 : vector<1xf32> to vector<1x1xf32>
    %add3A_18 = vector.broadcast %broadcast_in_dim3A : vector<1x1xf32> to vector<10000x1xf32>
    %add3A_19 = arith.addf %mul3A, %add3A_18 : vector<10000x1xf32>
    %logistic3A = arith.negf %add3A_19 : vector<10000x1xf32>
    %logistic3A_20 = math.exp %logistic3A : vector<10000x1xf32>
    %logistic3A_21 = arith.constant 1.000000e+00 : f32
    %logistic3A_22 = vector.broadcast %logistic3A_21 : f32 to vector<10000x1xf32>
    %logistic3A_23 = arith.addf %logistic3A_22, %logistic3A_20 : vector<10000x1xf32>
    %logistic3A_24 = arith.divf %logistic3A_22, %logistic3A_23 : vector<10000x1xf32>
    %swap3A = arith.constant 0 : index
    %swap3A_25 = arith.constant 0 : index
    %swap3A_26 = vector.load %arg4[%swap3A, %swap3A_25] : memref<10000x1xf32, #tpu.memory_space<vmem>>, vector<10000x1xf32>
    tpu.vector_store %arg4[%swap3A, %swap3A_25], %logistic3A_24 {strides = array<i32>} : memref<10000x1xf32, #tpu.memory_space<vmem>>, vector<10000x1xf32>,
    return
  }
}

</mosaic_0001>

<sc_bundles>
// kernel: kernel.11.cloned.1.call-start
scs
__scs_entry_jumppad:
0x0: {  	(pc) =	sbr.rel $0x88, $3  }
0x1: {  	(tag) =	ssettag $0x0;
	lr =	simm.s32 $0x1  }
0x2: {  	[smem:$0x3F9B] =	sst lr;
	_ =	strace $0xD0000000  }
0x3: {  	_ = 	snop  }
0x4: {  	_ = 	snop  }
0x5: {  	_ = 	snop  }
0x6: {  	_ = 	snop  }
0x7: {  	_ = 	snop  }
__scs_overlays_trampoline_lowered:
0x8: {  	[smem:$0x3FAA] =	sst s0  }
0x9: {  	[smem:$0x3FAB] =	sst s1  }
0xa: {  	[smem:$0x3FAC] =	sst s2  }
0xb: {  	[smem:$0x3FAD] =	sst s3  }
0xc: {  	[smem:$0x3FAE] =	sst s4  }
0xd: {  	[smem:$0x3FAF] =	sst s5  }
0xe: {  	[smem:$0x3FB0] =	sst s6  }
0xf: {  	[smem:$0x3FB1] =	sst s7  }
0x10: {  	[smem:$0x3FB2] =	sst s8  }
0x11: {  	[smem:$0x3FB3] =	sst s9;
	s0 =	simm.s32 @!p0 $0x0  }
0x12: {  	s1 =	sld [smem:$0x3F99];
	s0 =	simm.s32 @p0 $0x1  }
0x13: {  	[smem:$0x3FB4] =	sst s0;
	s0 =	simm.s32 @!p1 $0x0  }
0x14: {  	s2 =	sld [smem:$0x3F98];
	s0 =	simm.s32 @p1 $0x1  }
0x15: {  	[smem:$0x3FB5] =	sst s0;
	s0 =	simm.s32 @!p2 $0x0  }
0x16: {  	s3 =	sld [smem:$0x3FDB];
	s0 =	simm.s32 @p2 $0x1  }
0x17: {  	s4 =	simm.s32 $0x1BF5;
	[smem:$0x3FB7] =	sst s0  }
0x18: {  	s0 =	sld [smem:$0x3F9A];
	_ =	swait.ge [sflag:s4], $0x0  }
0x19: {  	s7 =	sld [smem:$0x3F9B]  }
0x1a: {  	s8 =	sadd.s32 $0xFFFFE003, lr  }
0x1b: {  	s9 =	sadd.s32 $0xFFFFFEF7, lr;
	s5 =	simm.s32 $0xFFFFFFFF;
	p2 =	slt.u32 s8, $0xFFFFF086  }
0x1c: {  	p1 =	slt.u32 s9, $0xF7A;
	s5 =	simm.s32 @!p2 $0x0  }
0x1d: {  	s5 =	simm.s32 @p1 $0x1;
	p0 =	seq.s32 s7, s2  }
0x1e: {  	s7 =	smul.u32 @!p0 $0xF7A, s2;
	p2 =	seq.s32 @!p0 s5, $0x0  }
0x1f: {  	s9 =	smul.u32 $0xF7A, s1;
	s8 =	simm.s32 @!p0 $0x1BF5;
	p2 =	por !p2, p0  }
0x20: {  	[sflag:s8] =	ssyncset.s32 @!p0 $0xFFFFF086;
	s6 =	sadd.s32 @!p0 s3, s7;
	s7 =	simm.s32 @!p0 $0x108  }
0x21: {  	s3 =	sadd.s32 s3, s9;
	s6 =	sadd.s32 @!p0 $0x88, s6;
	s7 =	simm.s32 @p2 $0x1082  }
0x22: {  	[simem:s7], [sflag:s8] =	dma.local @!p0 [hbm:s6], $0xF7A  }
0x23: {  	s9 =	sor.u32 $0xD0000000, s2;
	s6 =	simm.s32 $0x108;
	_ =	swait.ge @!p0 [sflag:s8], $0x0  }
0x24: {  	s3 =	sadd.s32 $0x88, s3;
	s6 =	simm.s32 @!p1 $0x1082;
	[sflag:s4] =	ssyncset.s32 $0xFFFFF086  }
0x25: {  	[simem:s6], [sflag:s4] =	dma.local [hbm:s3], $0xF7A  }
0x26: {  	[smem:$0x3F9B] =	sst s1;
	(tag) =	ssettag s2;
	_ =	strace s9  }
0x27: {  	s1 =	sld [smem:$0x3FAB]  }
0x28: {  	s2 =	sld [smem:$0x3FAC]  }
0x29: {  	s4 =	sld [smem:$0x3FAE]  }
0x2a: {  	p0 =	seq.s32 s5, $0x0;
	s5 =	sld [smem:$0x3FAF]  }
0x2b: {  	s6 =	sld [smem:$0x3FB0]  }
0x2c: {  	s7 =	sld [smem:$0x3FB1]  }
0x2d: {  	s3 =	simm.s32 $0x108;
	s8 =	sld [smem:$0x3FB2]  }
0x2e: {  	s3 =	simm.s32 @!p0 $0x1082;
	s9 =	sld [smem:$0x3FB3]  }
0x2f: {  	lr =	sadd.s32 s0, s3;
	s0 =	sld [smem:$0x3FAA]  }
0x30: {  	s3 =	sld [smem:$0x3FAD]  }
0x31: {  	[smem:$0x3FB6] =	sst s10  }
0x32: {  	s10 =	sld [smem:$0x3FB4];
	_ =	sdelay $0x3  }
0x33: {  	p0 =	seq.s32 s10, $0x1;
	s10 =	sld [smem:$0x3FB6];
	_ =	sdelay $0x3  }
0x34: {  	[smem:$0x3FB6] =	sst s10  }
0x35: {  	s10 =	sld [smem:$0x3FB5];
	_ =	sdelay $0x3  }
0x36: {  	p1 =	seq.s32 s10, $0x1;
	s10 =	sld [smem:$0x3FB6];
	_ =	sdelay $0x3  }
0x37: {  	[smem:$0x3FB6] =	sst s10  }
0x38: {  	s10 =	sld [smem:$0x3FB7]  }
0x39: {  	_ = 	snop;
	(pc) =	sbr.ind lr, $3  }
0x3a: {  	_ = 	snop  }
0x3b: {  	_ = 	snop  }
0x3c: {  	p2 =	seq.s32 s10, $0x1;
	s10 =	sld [smem:$0x3FB6]  }
0x3d: {  	_ =	shalt  }
0x3e: {  	_ =	shalt  }
0x3f: {  	_ =	shalt  }
0x40: {  	_ =	shalt  }
0x41: {  	_ =	shalt  }
0x42: {  	_ =	shalt  }
0x43: {  	_ =	shalt  }
0x44: {  	_ =	shalt  }
0x45: {  	_ =	shalt  }
0x46: {  	_ =	shalt  }
0x47: {  	_ =	shalt  }
0x48: {  	_ =	shalt  }
0x49: {  	_ =	shalt  }
0x4a: {  	_ =	shalt  }
0x4b: {  	_ =	shalt  }
0x4c: {  	_ =	shalt  }
0x4d: {  	_ =	shalt  }
0x4e: {  	_ =	shalt  }
0x4f: {  	_ =	shalt  }
0x50: {  	_ =	shalt  }
0x51: {  	_ =	shalt  }
0x52: {  	_ =	shalt  }
0x53: {  	_ =	shalt  }
0x54: {  	_ =	shalt  }
0x55: {  	_ =	shalt  }
0x56: {  	_ =	shalt  }
0x57: {  	_ =	shalt  }
0x58: {  	_ =	shalt  }
0x59: {  	_ =	shalt  }
0x5a: {  	_ =	shalt  }
0x5b: {  	_ =	shalt  }
0x5c: {  	_ =	shalt  }
0x5d: {  	_ =	shalt  }
0x5e: {  	_ =	shalt  }
0x5f: {  	_ =	shalt  }
0x60: {  	_ =	shalt  }
0x61: {  	_ =	shalt  }
0x62: {  	_ =	shalt  }
0x63: {  	_ =	shalt  }
0x64: {  	_ =	shalt  }
0x65: {  	_ =	shalt  }
0x66: {  	_ =	shalt  }
0x67: {  	_ =	shalt  }
0x68: {  	_ =	shalt  }
0x69: {  	_ =	shalt  }
0x6a: {  	_ =	shalt  }
0x6b: {  	_ =	shalt  }
0x6c: {  	_ =	shalt  }
0x6d: {  	_ =	shalt  }
0x6e: {  	_ =	shalt  }
0x6f: {  	_ =	shalt  }
0x70: {  	_ =	shalt  }
0x71: {  	_ =	shalt  }
0x72: {  	_ =	shalt  }
0x73: {  	_ =	shalt  }
0x74: {  	_ =	shalt  }
0x75: {  	_ =	shalt  }
0x76: {  	_ =	shalt  }
0x77: {  	_ =	shalt  }
0x78: {  	_ =	shalt  }
0x79: {  	_ =	shalt  }
0x7a: {  	_ =	shalt  }
0x7b: {  	_ =	shalt  }
0x7c: {  	_ =	shalt  }
0x7d: {  	_ =	shalt  }
0x7e: {  	_ =	shalt  }
0x7f: {  	_ =	shalt  }
0x80: {  	_ =	shalt  }
0x81: {  	_ =	shalt  }
0x82: {  	_ =	shalt  }
0x83: {  	_ =	shalt  }
0x84: {  	_ =	shalt  }
0x85: {  	_ =	shalt  }
0x86: {  	_ =	shalt  }
0x87: {  	_ =	shalt  }
.Lfunc_end0:
.L_simem_size_0:
called_computation.1_lowered:
.L_overlay_start_0:
0x88: {  	s2 =	sld [smem:$0x3FD9]  }
0x89: {  	s3 =	sld [smem:$0x3FFE];
	_ =	sdelay $0x1  }
0x8a: {  	s1 =	srdreg.scid  }
0x8b: {  	s0 =	sand.u32 $0x1, s1  }
0x8c: {  	s16 =	sshll.u32 s0, $0xA;
	s2 =	sadd.s32 s3, s2  }
0x8d: {  	s2 =	sadd.s32 s2, s16  }
0x8e: {  	[smem:$0x3FC2] =	sst s2  }
0x8f: {  	_ = 	snop  }
0x90: {  	(tm) =	ssettm $0x1  }
0x91: {  	s17 =	sld [smem:$0x3FFB];
	_ =	sdelay $0x3  }
0x92: {  	_ =	strace s17  }
0x93: {  	s2 =	sld [smem:$0x3FFC];
	_ =	sdelay $0x3  }
0x94: {  	_ =	strace s2  }
0x95: {  	s2 =	sld [smem:$0x3FFD];
	_ =	sdelay $0x3  }
0x96: {  	_ =	strace s2  }
0x97: {  	_ =	strace $0x8FFFFFFF  }
0x98: {  	s18 =	sld [smem:$0x3FDB];
	_ =	sdelay $0x1  }
0x99: {  	s19 =	simm.s32 $_scs_section_size  }
0x9a: {  	s4 =	simm.s32 $_size__tile_overlayer_lowered;
	s5 =	simm.s32 $_tile_overlayer_lowered  }
0x9b: {  	s22 =	simm.s32 $0x1BFF;
	s21 =	sshll.u32 s5, $0x1;
	s2 =	sadd.s32 s19, s18  }
0x9c: {  	s6 =	simm.s32 $0x0;
	s20 =	sshll.u32 s4, $0x1;
	s4 =	sadd.s32 s21, s2  }
0x9d: {  	[timem:s6], [sflag:s22] =	dma.local [hbm:s4], s20  }
0x9e: {  	_ =	swait.ge [sflag:s22], s20  }
0x9f: {  	s3 =	ssub.s32 $0x0, s20;
	[sflag:s22] =	ssyncset.done $0x0  }
0xa0: {  	[sflag:s22] =	ssyncadd.s32 s3;
	_ =	sdelay $0x1  }
0xa1: {  	s23 =	simm.s32 $0x1B8B  }
0xa2: {  	_ =	swait.ge [sflag:s23], $0x1  }
0xa3: {  	[sflag:s23] =	ssyncset.done $0x0  }
0xa4: {  	s25 =	simm.s32 $0x1B8E;
	s24 =	sld [smem:$0x3FFE];
	[sflag:s23] =	ssyncadd.s32 $0xFFFFFFFF  }
0xa5: {  	s26 =	simm.s32 $execute0_lowered;
	[smem:$0x3FD2] =	sst s25  }
0xa6: {  	s4 =	sshll.u32 s26, $0x1;
	_ =	strace $0x80000049;
	[dreg:$0x1] =	wrdreg $0xFFFFFFFF  }
0xa7: {  	s28 =	simm.s32 $_size_execute0_lowered;
	s2 =	sadd.s32 s2, s4;
	[dreg:$0x0] =	wrdreg $0x0  }
0xa8: {  	s4 =	sshll.u32 s28, $0x1;
	[dreg:$0x2] =	wrdreg s2  }
0xa9: {  	[dreg:$0x3] =	wrdreg s4  }
0xaa: {  	[dreg:$0x4] =	wrdreg $0xC0  }
0xab: {  	_ =	task [dreg:s6], $0x5FFFF  }
0xac: {  	[dreg:$0x1] =	wrdreg $0xFFFFFFFF  }
0xad: {  	[dreg:$0x0] =	wrdreg $0x60  }
0xae: {  	[dreg:$0x2] =	wrdreg s24  }
0xaf: {  	[dreg:$0x3] =	wrdreg $0x70000  }
0xb0: {  	[dreg:$0x4] =	wrdreg $0x9  }
0xb1: {  	_ =	task.clear_ibuf [dreg:s6], $0x5FFFF;
	_ =	strace $0x90000049  }
0xb2: {  	s29 =	simm.s32 $0x9;
	_ =	strace $0x8000004B  }
0xb3: {  	_ =	swait.ge [sflag:s29], $0x1  }
0xb4: {  	[sflag:s29] =	ssyncadd.s32 $0xFFFFFFFF  }
0xb5: {  	_ =	strace $0x9000004B  }
0xb6: {  	_ =	sfence  }
0xb7: {  	s30 =	sld [smem:$0x0];
	_ =	sdelay $0x2  }
0xb8: {  	s31 =	sshll.u32 s1, $0xD;
	s1 =	sshrl.u32 s1, $0x2  }
0xb9: {  	s3 =	sand.u32 $0x4000, s31;
	s1 =	sadd.s32 s1, s30  }
0xba: {  	s0 =	sor.u32 s3, s0;
	s1 =	sshll.u32 s1, $0x11  }
0xbb: {  	s0 =	sor.u32 s1, s0  }
0xbc: {  	s0 =	sadd.s32 $0x8F2B, s0  }
0xbd: {  	[sflag:s0] =	ssyncadd.remote.s32 $0x1  }
0xbe: {  	_ =	sfence.sel $0xFFFF  }
0xbf: {  	[dreg:$0x0] =	wrdreg $0xFFFFFFFF;
	(pc) =	sbr.abs _section_cstart, $3  }
0xc0: {  	[dreg:$0x1] =	wrdreg $0xFFFFFFFF  }
0xc1: {  	_ =	task.clear_ibuf [dreg:s6], $0x2FFFF;
	_ =	strace $0x9FFFFFFF  }
0xc2: {  	(tm) =	ssettm $0x7FFFFFFF  }
0xc3: {  	_ =	shalt  }
tec
execute0_lowered:
.L_overlay_start_1:
0x0: {  	(tag) =	ssettag $0x1  }
0x1: {  	s0 =	srdreg.scid;
	s5 =	rddreg [dreg:$0x0]  }
0x2: {  	s2 =	rddreg [dreg:$0x1];
	s1 =	stileid.u32  }
0x3: {  	s3 =	simm.s32 $0x0;
	s6 =	sand.u32 $0x1, s0;
	s0 =	rddreg [dreg:$0x2]  }
0x4: {  	s14 =	simm.s32 $0x5000;
	[smem:$0x7FF] =	sst s3;
	s8 =	smul.u32 $0xA000, s1  }
0x5: {  	s31 =	sshll.u32 s1, $0x6;
	s4 =	sshll.u32 s6, $0x4;
	_ =	strace $0x8000004A  }
0x6: {  	s9 =	smul.u32 $0x14000, s6;
	s6 =	ssub.s32 $0x2, s6;
	s4 =	sor.u32 s1, s4  }
0x7: {  	s15 =	sshrl.u32 s8, $0x3;
	s30 =	sshrl.u32 s6, $0x1;
	s13 =	sadd.s32 s8, s2  }
0x8: {  	s7 =	smul.u32 $0x500, s4;
	s4 =	sadd.s32 $0x1A600, s5;
	s11 =	sadd.s32 s15, s5  }
0x9: {  	s9 =	sadd.s32 s9, s5;
	s12 =	ssub.s32 s6, s30;
	s6 =	sor.u32 $0x1C01, s31  }
0xa: {  	s16 =	sadd.s32 $0x42600, s9;
	s9 =	smax.u32 s12, $0x1;
	s12 =	simm.s32 $0x2800  }
0xb: {  	s10 =	sadd.s32 s7, s5;
	s5 =	sadd.s32 $0x2E600, s11;
	s11 =	simm.s32 $0x1  }
0xc: {  	s15 =	sadd.s32 s15, s16;
	s16 =	simm.s32 $0x0;
	s7 =	sadd.s32 $0x6600, s10  }
0xd: {  	s8 =	sadd.s32 $0x10600, s10;
	s10 =	sshrl.u32 s13, $0x3;
	s13 =	simm.s32 $0x80  }
.LBB2_1:
0xe: {  	[spmem:s10], [sflag:s6] =	dma.local [hbm:s5], $0x1400  }
0xf: {  	_ =	swait.ge [sflag:s11], $0x1400  }
0x10: {  	[sflag:s11] =	ssyncset.done $0x0  }
0x11: {  	[sflag:s11] =	ssyncadd.s32 $0xFFFFEC00  }
0x12: {  	[tilespmem:s3], [sflag:$0x1] =	stream.linear.gather [hbm4b:s7+s3], $0x2800, $0x38;
	[tilespmem:$0x11000] =	vst v63  }
0x13: {  	_ =	swait.ge [sflag:s11], $0x2800  }
0x14: {  	[sflag:s11] =	ssyncset.done $0x0  }
0x15: {  	[sflag:s11] =	ssyncadd.s32 $0xFFFFD800  }
0x16: {  	[tilespmem:s12], [sflag:$0x1] =	stream.linear.gather [hbm4b:s8+s3], $0x2800, $0x38;
	[tilespmem:$0x11000] =	vst v63  }
0x17: {  	_ =	swait.ge [sflag:s11], $0x2800  }
0x18: {  	[sflag:s11] =	ssyncset.done $0x0  }
0x19: {  	[sflag:s11] =	ssyncadd.s32 $0xFFFFD800  }
0x1a: {  	s17 =	simm.s32 $0x0;
	[bflag:$0x0] =	sbarrier.arrive $0xFFFF  }
0x1b: {  	[tilespmem:s14], [sflag:$0x1] =	stream.indirect.gather [hbm4b:s4+s13], $0x40, s17, s13, $0xb8;
	[tilespmem:$0x11000] =	vst v63  }
0x1c: {  	_ =	swait.ge [sflag:s11], $0x2000  }
0x1d: {  	[sflag:s11] =	ssyncset.done $0x0  }
0x1e: {  	s31 =	simm.s32 $0x2800;
	[sflag:s11] =	ssyncadd.s32 $0xFFFFE000  }
0x1f: {  	[spmem:s2] =	stream.indirect.scatter.add.f32 [tilespmem:s14], [sflag:$0x1], $0x40, s31, s13, $0xb8;
	[tilespmem:$0x11000] =	vst v63  }
0x20: {  	_ =	swait.ge [sflag:s11], $0x2000  }
0x21: {  	s18 =	simm.s32 $0x400;
	s17 =	simm.s32 $0x200;
	[sflag:s11] =	ssyncset.done $0x0  }
.LBB2_2:
0x22: {  	s19 =	sshra.s32 s17, $0x2  }
0x23: {  	[sflag:s11] =	ssyncadd.s32 $0xFFFFE000;
	s17 =	smov.u32 s18;
	s20 =	sadd.s32 $0x200, s18  }
0x24: {  	[tilespmem:s14], [sflag:$0x1] =	stream.indirect.gather [hbm4b:s4+s13], $0x40, s19, s13, $0xb8;
	[tilespmem:$0x11000] =	vst v63  }
0x25: {  	p0 =	sne.s32 s18, $0x9E00;
	_ =	swait.ge [sflag:s11], $0x2000  }
.Ltmp0:
0x26: {  	[sflag:s11] =	ssyncset.done $0x0;
	(pc) =	sbr.rel @p0 .LBB2_2-.Ltmp0, $4  }
0x27: {  	s18 =	sadd.s32 $0x2800, s19;
	[sflag:s11] =	ssyncadd.s32 $0xFFFFE000  }
0x28: {  	[spmem:s2] =	stream.indirect.scatter.add.f32 [tilespmem:s14], [sflag:$0x1], $0x40, s18, s13, $0xb8;
	[tilespmem:$0x11000] =	vst v63  }
0x29: {  	_ =	swait.ge [sflag:s11], $0x2000  }
0x2a: {  	s18 =	smov.u32 s20;
	[sflag:s11] =	ssyncset.done $0x0  }
0x2b: {  	s17 =	sshra.s32 s17, $0x2;
	[sflag:s11] =	ssyncadd.s32 $0xFFFFE000  }
0x2c: {  	[tilespmem:s14], [sflag:$0x1] =	stream.indirect.gather [hbm4b:s4+s13], $0x40, s17, s13, $0xb8;
	[tilespmem:$0x11000] =	vst v63  }
0x2d: {  	_ =	swait.ge [sflag:s11], $0x2000  }
0x2e: {  	[sflag:s11] =	ssyncset.done $0x0  }
0x2f: {  	s17 =	sadd.s32 $0x2800, s17;
	[sflag:s11] =	ssyncadd.s32 $0xFFFFE000  }
0x30: {  	[spmem:s2] =	stream.indirect.scatter.add.f32 [tilespmem:s14], [sflag:$0x1], $0x40, s17, s13, $0xb8;
	[tilespmem:$0x11000] =	vst v63  }
0x31: {  	_ =	swait.ge [sflag:s11], $0x2000  }
0x32: {  	s16 =	sadd.s32 $0x1, s16;
	[sflag:s11] =	ssyncset.done $0x0  }
0x33: {  	p0 =	sne.s32 s16, s9;
	[sflag:s11] =	ssyncadd.s32 $0xFFFFE000  }
.Ltmp1:
0x34: {  	[bflag:$0x0] =	sbarrier.arrive $0xFFFF;
	(pc) =	sbr.rel @p0 .LBB2_1-.Ltmp1, $4  }
0x35: {  	[hbm:s15], [sflag:s6] =	dma.local [spmem:s10], $0x1400  }
0x36: {  	_ =	swait.ge [sflag:s11], $0x1400  }
0x37: {  	[sflag:s11] =	ssyncset.done $0x0  }
0x38: {  	[sflag:s11] =	ssyncadd.s32 $0xFFFFEC00  }
0x39: {  	_ =	sfence.sel $0x180000  }
0x3a: {  	[bflag:$0x0] =	sbarrier.arrive $0xFFFF  }
0x3b: {  	p0 =	sne.s32 s1, $0x0;
	_ =	strace $0x9000004A  }
0x3c: {  	s0 =	sadd.s32 @!p0 $0x100000, s0;
	[bflag:$0x2] =	sbarrier.arrive $0xFFFF  }
0x3d: {  	[sflag:s0] =	ssyncadd.tile.s32 @!p0 $0x1;
	_ =	shalt  }
.Lfunc_end2:
_tile_overlayer_lowered:
.L_overlay_start_2:
0x3e: {  	(tag) =	ssettag $0x2  }
0x3f: {  	s0 =	rddreg [dreg:$0x0];
	s2 =	stileid.u32  }
0x40: {  	s1 =	rddreg [dreg:$0x1];
	p0 =	sne.s32 s2, $0x0  }
0x41: {  	s3 =	rddreg [dreg:$0x2];
	[bflag:$0x3] =	sbarrier.arrive $0xFFFF;
	s2 =	simm.s32 @!p0 $0x1C01  }
0x42: {  	[timem:s3], [sflag:s2] =	dma.local @!p0 [hbm:s0], s1  }
0x43: {  	s0 =	simm.s32 @!p0 $0x1  }
0x44: {  	_ =	swait.ge @!p0 [sflag:s0], s1  }
0x45: {  	s1 =	ssub.s32 @!p0 $0x0, s1;
	[sflag:s0] =	ssyncset.done @!p0 $0x0  }
0x46: {  	[sflag:s0] =	ssyncadd.s32 @!p0 s1  }
0x47: {  	[bflag:$0x3] =	sbarrier.arrive $0xFFFF  }
0x48: {  	_ =	shalt  }

// kernel: kernel.14.cloned.1.call-start
scs
__scs_entry_jumppad:
0x0: {  	(pc) =	sbr.rel $0x88, $3  }
0x1: {  	(tag) =	ssettag $0x0;
	lr =	simm.s32 $0x1  }
0x2: {  	[smem:$0x3F9B] =	sst lr;
	_ =	strace $0xD0000000  }
0x3: {  	_ = 	snop  }
0x4: {  	_ = 	snop  }
0x5: {  	_ = 	snop  }
0x6: {  	_ = 	snop  }
0x7: {  	_ = 	snop  }
__scs_overlays_trampoline_lowered:
0x8: {  	[smem:$0x3FAA] =	sst s0  }
0x9: {  	[smem:$0x3FAB] =	sst s1  }
0xa: {  	[smem:$0x3FAC] =	sst s2  }
0xb: {  	[smem:$0x3FAD] =	sst s3  }
0xc: {  	[smem:$0x3FAE] =	sst s4  }
0xd: {  	[smem:$0x3FAF] =	sst s5  }
0xe: {  	[smem:$0x3FB0] =	sst s6  }
0xf: {  	[smem:$0x3FB1] =	sst s7  }
0x10: {  	[smem:$0x3FB2] =	sst s8  }
0x11: {  	[smem:$0x3FB3] =	sst s9;
	s0 =	simm.s32 @!p0 $0x0  }
0x12: {  	s1 =	sld [smem:$0x3F99];
	s0 =	simm.s32 @p0 $0x1  }
0x13: {  	[smem:$0x3FB4] =	sst s0;
	s0 =	simm.s32 @!p1 $0x0  }
0x14: {  	s2 =	sld [smem:$0x3F98];
	s0 =	simm.s32 @p1 $0x1  }
0x15: {  	[smem:$0x3FB5] =	sst s0;
	s0 =	simm.s32 @!p2 $0x0  }
0x16: {  	s3 =	sld [smem:$0x3FDB];
	s0 =	simm.s32 @p2 $0x1  }
0x17: {  	s4 =	simm.s32 $0x1BF5;
	[smem:$0x3FB7] =	sst s0  }
0x18: {  	s0 =	sld [smem:$0x3F9A];
	_ =	swait.ge [sflag:s4], $0x0  }
0x19: {  	s7 =	sld [smem:$0x3F9B]  }
0x1a: {  	s8 =	sadd.s32 $0xFFFFE003, lr  }
0x1b: {  	s9 =	sadd.s32 $0xFFFFFEF7, lr;
	s5 =	simm.s32 $0xFFFFFFFF;
	p2 =	slt.u32 s8, $0xFFFFF086  }
0x1c: {  	p1 =	slt.u32 s9, $0xF7A;
	s5 =	simm.s32 @!p2 $0x0  }
0x1d: {  	s5 =	simm.s32 @p1 $0x1;
	p0 =	seq.s32 s7, s2  }
0x1e: {  	s7 =	smul.u32 @!p0 $0xF7A, s2;
	p2 =	seq.s32 @!p0 s5, $0x0  }
0x1f: {  	s9 =	smul.u32 $0xF7A, s1;
	s8 =	simm.s32 @!p0 $0x1BF5;
	p2 =	por !p2, p0  }
0x20: {  	[sflag:s8] =	ssyncset.s32 @!p0 $0xFFFFF086;
	s6 =	sadd.s32 @!p0 s3, s7;
	s7 =	simm.s32 @!p0 $0x108  }
0x21: {  	s3 =	sadd.s32 s3, s9;
	s6 =	sadd.s32 @!p0 $0x88, s6;
	s7 =	simm.s32 @p2 $0x1082  }
0x22: {  	[simem:s7], [sflag:s8] =	dma.local @!p0 [hbm:s6], $0xF7A  }
0x23: {  	s9 =	sor.u32 $0xD0000000, s2;
	s6 =	simm.s32 $0x108;
	_ =	swait.ge @!p0 [sflag:s8], $0x0  }
0x24: {  	s3 =	sadd.s32 $0x88, s3;
	s6 =	simm.s32 @!p1 $0x1082;
	[sflag:s4] =	ssyncset.s32 $0xFFFFF086  }
0x25: {  	[simem:s6], [sflag:s4] =	dma.local [hbm:s3], $0xF7A  }
0x26: {  	[smem:$0x3F9B] =	sst s1;
	(tag) =	ssettag s2;
	_ =	strace s9  }
0x27: {  	s1 =	sld [smem:$0x3FAB]  }
0x28: {  	s2 =	sld [smem:$0x3FAC]  }
0x29: {  	s4 =	sld [smem:$0x3FAE]  }
0x2a: {  	p0 =	seq.s32 s5, $0x0;
	s5 =	sld [smem:$0x3FAF]  }
0x2b: {  	s6 =	sld [smem:$0x3FB0]  }
0x2c: {  	s7 =	sld [smem:$0x3FB1]  }
0x2d: {  	s3 =	simm.s32 $0x108;
	s8 =	sld [smem:$0x3FB2]  }
0x2e: {  	s3 =	simm.s32 @!p0 $0x1082;
	s9 =	sld [smem:$0x3FB3]  }
0x2f: {  	lr =	sadd.s32 s0, s3;
	s0 =	sld [smem:$0x3FAA]  }
0x30: {  	s3 =	sld [smem:$0x3FAD]  }
0x31: {  	[smem:$0x3FB6] =	sst s10  }
0x32: {  	s10 =	sld [smem:$0x3FB4];
	_ =	sdelay $0x3  }
0x33: {  	p0 =	seq.s32 s10, $0x1;
	s10 =	sld [smem:$0x3FB6];
	_ =	sdelay $0x3  }
0x34: {  	[smem:$0x3FB6] =	sst s10  }
0x35: {  	s10 =	sld [smem:$0x3FB5];
	_ =	sdelay $0x3  }
0x36: {  	p1 =	seq.s32 s10, $0x1;
	s10 =	sld [smem:$0x3FB6];
	_ =	sdelay $0x3  }
0x37: {  	[smem:$0x3FB6] =	sst s10  }
0x38: {  	s10 =	sld [smem:$0x3FB7]  }
0x39: {  	_ = 	snop;
	(pc) =	sbr.ind lr, $3  }
0x3a: {  	_ = 	snop  }
0x3b: {  	_ = 	snop  }
0x3c: {  	p2 =	seq.s32 s10, $0x1;
	s10 =	sld [smem:$0x3FB6]  }
0x3d: {  	_ =	shalt  }
0x3e: {  	_ =	shalt  }
0x3f: {  	_ =	shalt  }
0x40: {  	_ =	shalt  }
0x41: {  	_ =	shalt  }
0x42: {  	_ =	shalt  }
0x43: {  	_ =	shalt  }
0x44: {  	_ =	shalt  }
0x45: {  	_ =	shalt  }
0x46: {  	_ =	shalt  }
0x47: {  	_ =	shalt  }
0x48: {  	_ =	shalt  }
0x49: {  	_ =	shalt  }
0x4a: {  	_ =	shalt  }
0x4b: {  	_ =	shalt  }
0x4c: {  	_ =	shalt  }
0x4d: {  	_ =	shalt  }
0x4e: {  	_ =	shalt  }
0x4f: {  	_ =	shalt  }
0x50: {  	_ =	shalt  }
0x51: {  	_ =	shalt  }
0x52: {  	_ =	shalt  }
0x53: {  	_ =	shalt  }
0x54: {  	_ =	shalt  }
0x55: {  	_ =	shalt  }
0x56: {  	_ =	shalt  }
0x57: {  	_ =	shalt  }
0x58: {  	_ =	shalt  }
0x59: {  	_ =	shalt  }
0x5a: {  	_ =	shalt  }
0x5b: {  	_ =	shalt  }
0x5c: {  	_ =	shalt  }
0x5d: {  	_ =	shalt  }
0x5e: {  	_ =	shalt  }
0x5f: {  	_ =	shalt  }
0x60: {  	_ =	shalt  }
0x61: {  	_ =	shalt  }
0x62: {  	_ =	shalt  }
0x63: {  	_ =	shalt  }
0x64: {  	_ =	shalt  }
0x65: {  	_ =	shalt  }
0x66: {  	_ =	shalt  }
0x67: {  	_ =	shalt  }
0x68: {  	_ =	shalt  }
0x69: {  	_ =	shalt  }
0x6a: {  	_ =	shalt  }
0x6b: {  	_ =	shalt  }
0x6c: {  	_ =	shalt  }
0x6d: {  	_ =	shalt  }
0x6e: {  	_ =	shalt  }
0x6f: {  	_ =	shalt  }
0x70: {  	_ =	shalt  }
0x71: {  	_ =	shalt  }
0x72: {  	_ =	shalt  }
0x73: {  	_ =	shalt  }
0x74: {  	_ =	shalt  }
0x75: {  	_ =	shalt  }
0x76: {  	_ =	shalt  }
0x77: {  	_ =	shalt  }
0x78: {  	_ =	shalt  }
0x79: {  	_ =	shalt  }
0x7a: {  	_ =	shalt  }
0x7b: {  	_ =	shalt  }
0x7c: {  	_ =	shalt  }
0x7d: {  	_ =	shalt  }
0x7e: {  	_ =	shalt  }
0x7f: {  	_ =	shalt  }
0x80: {  	_ =	shalt  }
0x81: {  	_ =	shalt  }
0x82: {  	_ =	shalt  }
0x83: {  	_ =	shalt  }
0x84: {  	_ =	shalt  }
0x85: {  	_ =	shalt  }
0x86: {  	_ =	shalt  }
0x87: {  	_ =	shalt  }
.Lfunc_end0:
.L_simem_size_0:
called_computation.2_lowered:
.L_overlay_start_0:
0x88: {  	s2 =	sld [smem:$0x3FD9]  }
0x89: {  	s3 =	sld [smem:$0x3FFE];
	_ =	sdelay $0x1  }
0x8a: {  	s1 =	srdreg.scid  }
0x8b: {  	s0 =	sand.u32 $0x1, s1  }
0x8c: {  	s16 =	sshll.u32 s0, $0xA;
	s2 =	sadd.s32 s3, s2  }
0x8d: {  	s2 =	sadd.s32 s2, s16  }
0x8e: {  	[smem:$0x3FC2] =	sst s2  }
0x8f: {  	_ = 	snop  }
0x90: {  	(tm) =	ssettm $0x1  }
0x91: {  	s17 =	sld [smem:$0x3FFB];
	_ =	sdelay $0x3  }
0x92: {  	_ =	strace s17  }
0x93: {  	s2 =	sld [smem:$0x3FFC];
	_ =	sdelay $0x3  }
0x94: {  	_ =	strace s2  }
0x95: {  	s2 =	sld [smem:$0x3FFD];
	_ =	sdelay $0x3  }
0x96: {  	_ =	strace s2  }
0x97: {  	_ =	strace $0x8FFFFFFF  }
0x98: {  	s18 =	sld [smem:$0x3FDB];
	_ =	sdelay $0x1  }
0x99: {  	s19 =	simm.s32 $_scs_section_size  }
0x9a: {  	s4 =	simm.s32 $_size__tile_overlayer_lowered;
	s5 =	simm.s32 $_tile_overlayer_lowered  }
0x9b: {  	s22 =	simm.s32 $0x1BFF;
	s21 =	sshll.u32 s5, $0x1;
	s2 =	sadd.s32 s19, s18  }
0x9c: {  	s6 =	simm.s32 $0x0;
	s20 =	sshll.u32 s4, $0x1;
	s4 =	sadd.s32 s21, s2  }
0x9d: {  	[timem:s6], [sflag:s22] =	dma.local [hbm:s4], s20  }
0x9e: {  	_ =	swait.ge [sflag:s22], s20  }
0x9f: {  	s3 =	ssub.s32 $0x0, s20;
	[sflag:s22] =	ssyncset.done $0x0  }
0xa0: {  	[sflag:s22] =	ssyncadd.s32 s3;
	_ =	sdelay $0x1  }
0xa1: {  	s23 =	simm.s32 $0x1B8B  }
0xa2: {  	_ =	swait.ge [sflag:s23], $0x1  }
0xa3: {  	[sflag:s23] =	ssyncset.done $0x0  }
0xa4: {  	s25 =	simm.s32 $0x1B8E;
	s24 =	sld [smem:$0x3FFE];
	[sflag:s23] =	ssyncadd.s32 $0xFFFFFFFF  }
0xa5: {  	s26 =	simm.s32 $execute0_lowered;
	[smem:$0x3FD2] =	sst s25  }
0xa6: {  	s4 =	sshll.u32 s26, $0x1;
	_ =	strace $0x8000004C;
	[dreg:$0x1] =	wrdreg $0xFFFFFFFF  }
0xa7: {  	s28 =	simm.s32 $_size_execute0_lowered;
	s2 =	sadd.s32 s2, s4;
	[dreg:$0x0] =	wrdreg $0x0  }
0xa8: {  	s4 =	sshll.u32 s28, $0x1;
	[dreg:$0x2] =	wrdreg s2  }
0xa9: {  	[dreg:$0x3] =	wrdreg s4  }
0xaa: {  	[dreg:$0x4] =	wrdreg $0xC0  }
0xab: {  	_ =	task [dreg:s6], $0x5FFFF  }
0xac: {  	[dreg:$0x1] =	wrdreg $0xFFFFFFFF  }
0xad: {  	[dreg:$0x0] =	wrdreg $0x60  }
0xae: {  	[dreg:$0x2] =	wrdreg s24  }
0xaf: {  	[dreg:$0x3] =	wrdreg $0x54000  }
0xb0: {  	[dreg:$0x4] =	wrdreg $0x9  }
0xb1: {  	_ =	task.clear_ibuf [dreg:s6], $0x5FFFF;
	_ =	strace $0x9000004C  }
0xb2: {  	s29 =	simm.s32 $0x9;
	_ =	strace $0x8000004E  }
0xb3: {  	_ =	swait.ge [sflag:s29], $0x1  }
0xb4: {  	[sflag:s29] =	ssyncadd.s32 $0xFFFFFFFF  }
0xb5: {  	_ =	strace $0x9000004E  }
0xb6: {  	_ =	sfence  }
0xb7: {  	s30 =	sld [smem:$0x0];
	_ =	sdelay $0x2  }
0xb8: {  	s31 =	sshll.u32 s1, $0xD;
	s1 =	sshrl.u32 s1, $0x2  }
0xb9: {  	s3 =	sand.u32 $0x4000, s31;
	s1 =	sadd.s32 s1, s30  }
0xba: {  	s0 =	sor.u32 s3, s0;
	s1 =	sshll.u32 s1, $0x11  }
0xbb: {  	s0 =	sor.u32 s1, s0  }
0xbc: {  	s0 =	sadd.s32 $0x8F2B, s0  }
0xbd: {  	[sflag:s0] =	ssyncadd.remote.s32 $0x1  }
0xbe: {  	_ =	sfence.sel $0xFFFF  }
0xbf: {  	[dreg:$0x0] =	wrdreg $0xFFFFFFFF;
	(pc) =	sbr.abs _section_cstart, $3  }
0xc0: {  	[dreg:$0x1] =	wrdreg $0xFFFFFFFF  }
0xc1: {  	_ =	task.clear_ibuf [dreg:s6], $0x2FFFF;
	_ =	strace $0x9FFFFFFF  }
0xc2: {  	(tm) =	ssettm $0x7FFFFFFF  }
0xc3: {  	_ =	shalt  }
tec
execute0_lowered:
.L_overlay_start_1:
0x0: {  	(tag) =	ssettag $0x1  }
0x1: {  	s0 =	srdreg.scid;
	s5 =	rddreg [dreg:$0x0]  }
0x2: {  	s2 =	rddreg [dreg:$0x1];
	s1 =	stileid.u32  }
0x3: {  	s3 =	simm.s32 $0x0;
	s6 =	sand.u32 $0x1, s0;
	s0 =	rddreg [dreg:$0x2]  }
0x4: {  	s14 =	simm.s32 $0x5000;
	[smem:$0x7FF] =	sst s3;
	s8 =	smul.u32 $0x1400, s1  }
0x5: {  	s31 =	sshll.u32 s1, $0x6;
	s4 =	sshll.u32 s6, $0x4;
	_ =	strace $0x8000004D  }
0x6: {  	s9 =	smul.u32 $0x2800, s6;
	s6 =	ssub.s32 $0x2, s6;
	s4 =	sor.u32 s1, s4  }
0x7: {  	s15 =	sshrl.u32 s8, $0x3;
	s30 =	sshrl.u32 s6, $0x1;
	s13 =	sadd.s32 s8, s2  }
0x8: {  	s7 =	smul.u32 $0x500, s4;
	s4 =	sadd.s32 $0x3E00, s5;
	s11 =	sadd.s32 s15, s5  }
0x9: {  	s9 =	sadd.s32 s9, s5;
	s12 =	ssub.s32 s6, s30;
	s6 =	sor.u32 $0x1C01, s31  }
0xa: {  	s16 =	sadd.s32 $0x1A600, s9;
	s9 =	smax.u32 s12, $0x1;
	s12 =	simm.s32 $0x2800  }
0xb: {  	s10 =	sadd.s32 s7, s5;
	s5 =	sadd.s32 $0x1600, s11;
	s11 =	simm.s32 $0x1  }
0xc: {  	s15 =	sadd.s32 s15, s16;
	s16 =	simm.s32 $0x0;
	s7 =	sadd.s32 $0x6600, s10  }
0xd: {  	s8 =	sadd.s32 $0x10600, s10;
	s10 =	sshrl.u32 s13, $0x3;
	s13 =	simm.s32 $0x80  }
.LBB2_1:
0xe: {  	[spmem:s10], [sflag:s6] =	dma.local [hbm:s5], $0x280  }
0xf: {  	_ =	swait.ge [sflag:s11], $0x280  }
0x10: {  	[sflag:s11] =	ssyncset.done $0x0  }
0x11: {  	[sflag:s11] =	ssyncadd.s32 $0xFFFFFD80  }
0x12: {  	[tilespmem:s3], [sflag:$0x1] =	stream.linear.gather [hbm4b:s7+s3], $0x2800, $0x38;
	[tilespmem:$0x5680] =	vst v63  }
0x13: {  	_ =	swait.ge [sflag:s11], $0x2800  }
0x14: {  	[sflag:s11] =	ssyncset.done $0x0  }
0x15: {  	[sflag:s11] =	ssyncadd.s32 $0xFFFFD800  }
0x16: {  	[tilespmem:s12], [sflag:$0x1] =	stream.linear.gather [hbm4b:s8+s3], $0x2800, $0x38;
	[tilespmem:$0x5680] =	vst v63  }
0x17: {  	_ =	swait.ge [sflag:s11], $0x2800  }
0x18: {  	[sflag:s11] =	ssyncset.done $0x0  }
0x19: {  	[sflag:s11] =	ssyncadd.s32 $0xFFFFD800  }
0x1a: {  	s17 =	simm.s32 $0x0;
	[bflag:$0x0] =	sbarrier.arrive $0xFFFF  }
0x1b: {  	[tilespmem:s14], [sflag:$0x1] =	stream.indirect.gather [hbm4b:s4+s13], $0x1, s17, s13, $0xb8;
	[tilespmem:$0x5680] =	vst v63  }
0x1c: {  	_ =	swait.ge [sflag:s11], $0x80  }
0x1d: {  	[sflag:s11] =	ssyncset.done $0x0  }
0x1e: {  	s31 =	simm.s32 $0x2800;
	[sflag:s11] =	ssyncadd.s32 $0xFFFFFF80  }
0x1f: {  	[spmem:s2] =	stream.indirect.scatter.add.f32 [tilespmem:s14], [sflag:$0x1], $0x1, s31, s13, $0xb8;
	[tilespmem:$0x5680] =	vst v63  }
0x20: {  	_ =	swait.ge [sflag:s11], $0x80  }
0x21: {  	s18 =	simm.s32 $0x400;
	s17 =	simm.s32 $0x200;
	[sflag:s11] =	ssyncset.done $0x0  }
.LBB2_2:
0x22: {  	s19 =	sshra.s32 s17, $0x2  }
0x23: {  	[sflag:s11] =	ssyncadd.s32 $0xFFFFFF80;
	s17 =	smov.u32 s18;
	s20 =	sadd.s32 $0x200, s18  }
0x24: {  	[tilespmem:s14], [sflag:$0x1] =	stream.indirect.gather [hbm4b:s4+s13], $0x1, s19, s13, $0xb8;
	[tilespmem:$0x5680] =	vst v63  }
0x25: {  	p0 =	sne.s32 s18, $0x9E00;
	_ =	swait.ge [sflag:s11], $0x80  }
.Ltmp0:
0x26: {  	[sflag:s11] =	ssyncset.done $0x0;
	(pc) =	sbr.rel @p0 .LBB2_2-.Ltmp0, $4  }
0x27: {  	s18 =	sadd.s32 $0x2800, s19;
	[sflag:s11] =	ssyncadd.s32 $0xFFFFFF80  }
0x28: {  	[spmem:s2] =	stream.indirect.scatter.add.f32 [tilespmem:s14], [sflag:$0x1], $0x1, s18, s13, $0xb8;
	[tilespmem:$0x5680] =	vst v63  }
0x29: {  	_ =	swait.ge [sflag:s11], $0x80  }
0x2a: {  	s18 =	smov.u32 s20;
	[sflag:s11] =	ssyncset.done $0x0  }
0x2b: {  	s17 =	sshra.s32 s17, $0x2;
	[sflag:s11] =	ssyncadd.s32 $0xFFFFFF80  }
0x2c: {  	[tilespmem:s14], [sflag:$0x1] =	stream.indirect.gather [hbm4b:s4+s13], $0x1, s17, s13, $0xb8;
	[tilespmem:$0x5680] =	vst v63  }
0x2d: {  	_ =	swait.ge [sflag:s11], $0x80  }
0x2e: {  	[sflag:s11] =	ssyncset.done $0x0  }
0x2f: {  	s17 =	sadd.s32 $0x2800, s17;
	[sflag:s11] =	ssyncadd.s32 $0xFFFFFF80  }
0x30: {  	[spmem:s2] =	stream.indirect.scatter.add.f32 [tilespmem:s14], [sflag:$0x1], $0x1, s17, s13, $0xb8;
	[tilespmem:$0x5680] =	vst v63  }
0x31: {  	_ =	swait.ge [sflag:s11], $0x80  }
0x32: {  	s16 =	sadd.s32 $0x1, s16;
	[sflag:s11] =	ssyncset.done $0x0  }
0x33: {  	p0 =	sne.s32 s16, s9;
	[sflag:s11] =	ssyncadd.s32 $0xFFFFFF80  }
.Ltmp1:
0x34: {  	[bflag:$0x0] =	sbarrier.arrive $0xFFFF;
	(pc) =	sbr.rel @p0 .LBB2_1-.Ltmp1, $4  }
0x35: {  	[hbm:s15], [sflag:s6] =	dma.local [spmem:s10], $0x280  }
0x36: {  	_ =	swait.ge [sflag:s11], $0x280  }
0x37: {  	[sflag:s11] =	ssyncset.done $0x0  }
0x38: {  	[sflag:s11] =	ssyncadd.s32 $0xFFFFFD80  }
0x39: {  	_ =	sfence.sel $0x180000  }
0x3a: {  	[bflag:$0x0] =	sbarrier.arrive $0xFFFF  }
0x3b: {  	p0 =	sne.s32 s1, $0x0;
	_ =	strace $0x9000004D  }
0x3c: {  	s0 =	sadd.s32 @!p0 $0x100000, s0;
	[bflag:$0x2] =	sbarrier.arrive $0xFFFF  }
0x3d: {  	[sflag:s0] =	ssyncadd.tile.s32 @!p0 $0x1;
	_ =	shalt  }
.Lfunc_end2:
_tile_overlayer_lowered:
.L_overlay_start_2:
0x3e: {  	(tag) =	ssettag $0x2  }
0x3f: {  	s0 =	rddreg [dreg:$0x0];
	s2 =	stileid.u32  }
0x40: {  	s1 =	rddreg [dreg:$0x1];
	p0 =	sne.s32 s2, $0x0  }
0x41: {  	s3 =	rddreg [dreg:$0x2];
	[bflag:$0x3] =	sbarrier.arrive $0xFFFF;
	s2 =	simm.s32 @!p0 $0x1C01  }
0x42: {  	[timem:s3], [sflag:s2] =	dma.local @!p0 [hbm:s0], s1  }
0x43: {  	s0 =	simm.s32 @!p0 $0x1  }
0x44: {  	_ =	swait.ge @!p0 [sflag:s0], s1  }
0x45: {  	s1 =	ssub.s32 @!p0 $0x0, s1;
	[sflag:s0] =	ssyncset.done @!p0 $0x0  }
0x46: {  	[sflag:s0] =	ssyncadd.s32 @!p0 s1  }
0x47: {  	[bflag:$0x3] =	sbarrier.arrive $0xFFFF  }
0x48: {  	_ =	shalt  }

// kernel: kernel.8.cloned.1.call-start
scs
__scs_entry_jumppad:
0x0: {  	(pc) =	sbr.rel $0x88, $3  }
0x1: {  	(tag) =	ssettag $0x0;
	lr =	simm.s32 $0x1  }
0x2: {  	[smem:$0x3F9B] =	sst lr;
	_ =	strace $0xD0000000  }
0x3: {  	_ = 	snop  }
0x4: {  	_ = 	snop  }
0x5: {  	_ = 	snop  }
0x6: {  	_ = 	snop  }
0x7: {  	_ = 	snop  }
__scs_overlays_trampoline_lowered:
0x8: {  	[smem:$0x3FAA] =	sst s0  }
0x9: {  	[smem:$0x3FAB] =	sst s1  }
0xa: {  	[smem:$0x3FAC] =	sst s2  }
0xb: {  	[smem:$0x3FAD] =	sst s3  }
0xc: {  	[smem:$0x3FAE] =	sst s4  }
0xd: {  	[smem:$0x3FAF] =	sst s5  }
0xe: {  	[smem:$0x3FB0] =	sst s6  }
0xf: {  	[smem:$0x3FB1] =	sst s7  }
0x10: {  	[smem:$0x3FB2] =	sst s8  }
0x11: {  	[smem:$0x3FB3] =	sst s9;
	s0 =	simm.s32 @!p0 $0x0  }
0x12: {  	s1 =	sld [smem:$0x3F99];
	s0 =	simm.s32 @p0 $0x1  }
0x13: {  	[smem:$0x3FB4] =	sst s0;
	s0 =	simm.s32 @!p1 $0x0  }
0x14: {  	s2 =	sld [smem:$0x3F98];
	s0 =	simm.s32 @p1 $0x1  }
0x15: {  	[smem:$0x3FB5] =	sst s0;
	s0 =	simm.s32 @!p2 $0x0  }
0x16: {  	s3 =	sld [smem:$0x3FDB];
	s0 =	simm.s32 @p2 $0x1  }
0x17: {  	s4 =	simm.s32 $0x1BF5;
	[smem:$0x3FB7] =	sst s0  }
0x18: {  	s0 =	sld [smem:$0x3F9A];
	_ =	swait.ge [sflag:s4], $0x0  }
0x19: {  	s7 =	sld [smem:$0x3F9B]  }
0x1a: {  	s8 =	sadd.s32 $0xFFFFE003, lr  }
0x1b: {  	s9 =	sadd.s32 $0xFFFFFEF7, lr;
	s5 =	simm.s32 $0xFFFFFFFF;
	p2 =	slt.u32 s8, $0xFFFFF086  }
0x1c: {  	p1 =	slt.u32 s9, $0xF7A;
	s5 =	simm.s32 @!p2 $0x0  }
0x1d: {  	s5 =	simm.s32 @p1 $0x1;
	p0 =	seq.s32 s7, s2  }
0x1e: {  	s7 =	smul.u32 @!p0 $0xF7A, s2;
	p2 =	seq.s32 @!p0 s5, $0x0  }
0x1f: {  	s9 =	smul.u32 $0xF7A, s1;
	s8 =	simm.s32 @!p0 $0x1BF5;
	p2 =	por !p2, p0  }
0x20: {  	[sflag:s8] =	ssyncset.s32 @!p0 $0xFFFFF086;
	s6 =	sadd.s32 @!p0 s3, s7;
	s7 =	simm.s32 @!p0 $0x108  }
0x21: {  	s3 =	sadd.s32 s3, s9;
	s6 =	sadd.s32 @!p0 $0x88, s6;
	s7 =	simm.s32 @p2 $0x1082  }
0x22: {  	[simem:s7], [sflag:s8] =	dma.local @!p0 [hbm:s6], $0xF7A  }
0x23: {  	s9 =	sor.u32 $0xD0000000, s2;
	s6 =	simm.s32 $0x108;
	_ =	swait.ge @!p0 [sflag:s8], $0x0  }
0x24: {  	s3 =	sadd.s32 $0x88, s3;
	s6 =	simm.s32 @!p1 $0x1082;
	[sflag:s4] =	ssyncset.s32 $0xFFFFF086  }
0x25: {  	[simem:s6], [sflag:s4] =	dma.local [hbm:s3], $0xF7A  }
0x26: {  	[smem:$0x3F9B] =	sst s1;
	(tag) =	ssettag s2;
	_ =	strace s9  }
0x27: {  	s1 =	sld [smem:$0x3FAB]  }
0x28: {  	s2 =	sld [smem:$0x3FAC]  }
0x29: {  	s4 =	sld [smem:$0x3FAE]  }
0x2a: {  	p0 =	seq.s32 s5, $0x0;
	s5 =	sld [smem:$0x3FAF]  }
0x2b: {  	s6 =	sld [smem:$0x3FB0]  }
0x2c: {  	s7 =	sld [smem:$0x3FB1]  }
0x2d: {  	s3 =	simm.s32 $0x108;
	s8 =	sld [smem:$0x3FB2]  }
0x2e: {  	s3 =	simm.s32 @!p0 $0x1082;
	s9 =	sld [smem:$0x3FB3]  }
0x2f: {  	lr =	sadd.s32 s0, s3;
	s0 =	sld [smem:$0x3FAA]  }
0x30: {  	s3 =	sld [smem:$0x3FAD]  }
0x31: {  	[smem:$0x3FB6] =	sst s10  }
0x32: {  	s10 =	sld [smem:$0x3FB4];
	_ =	sdelay $0x3  }
0x33: {  	p0 =	seq.s32 s10, $0x1;
	s10 =	sld [smem:$0x3FB6];
	_ =	sdelay $0x3  }
0x34: {  	[smem:$0x3FB6] =	sst s10  }
0x35: {  	s10 =	sld [smem:$0x3FB5];
	_ =	sdelay $0x3  }
0x36: {  	p1 =	seq.s32 s10, $0x1;
	s10 =	sld [smem:$0x3FB6];
	_ =	sdelay $0x3  }
0x37: {  	[smem:$0x3FB6] =	sst s10  }
0x38: {  	s10 =	sld [smem:$0x3FB7]  }
0x39: {  	_ = 	snop;
	(pc) =	sbr.ind lr, $3  }
0x3a: {  	_ = 	snop  }
0x3b: {  	_ = 	snop  }
0x3c: {  	p2 =	seq.s32 s10, $0x1;
	s10 =	sld [smem:$0x3FB6]  }
0x3d: {  	_ =	shalt  }
0x3e: {  	_ =	shalt  }
0x3f: {  	_ =	shalt  }
0x40: {  	_ =	shalt  }
0x41: {  	_ =	shalt  }
0x42: {  	_ =	shalt  }
0x43: {  	_ =	shalt  }
0x44: {  	_ =	shalt  }
0x45: {  	_ =	shalt  }
0x46: {  	_ =	shalt  }
0x47: {  	_ =	shalt  }
0x48: {  	_ =	shalt  }
0x49: {  	_ =	shalt  }
0x4a: {  	_ =	shalt  }
0x4b: {  	_ =	shalt  }
0x4c: {  	_ =	shalt  }
0x4d: {  	_ =	shalt  }
0x4e: {  	_ =	shalt  }
0x4f: {  	_ =	shalt  }
0x50: {  	_ =	shalt  }
0x51: {  	_ =	shalt  }
0x52: {  	_ =	shalt  }
0x53: {  	_ =	shalt  }
0x54: {  	_ =	shalt  }
0x55: {  	_ =	shalt  }
0x56: {  	_ =	shalt  }
0x57: {  	_ =	shalt  }
0x58: {  	_ =	shalt  }
0x59: {  	_ =	shalt  }
0x5a: {  	_ =	shalt  }
0x5b: {  	_ =	shalt  }
0x5c: {  	_ =	shalt  }
0x5d: {  	_ =	shalt  }
0x5e: {  	_ =	shalt  }
0x5f: {  	_ =	shalt  }
0x60: {  	_ =	shalt  }
0x61: {  	_ =	shalt  }
0x62: {  	_ =	shalt  }
0x63: {  	_ =	shalt  }
0x64: {  	_ =	shalt  }
0x65: {  	_ =	shalt  }
0x66: {  	_ =	shalt  }
0x67: {  	_ =	shalt  }
0x68: {  	_ =	shalt  }
0x69: {  	_ =	shalt  }
0x6a: {  	_ =	shalt  }
0x6b: {  	_ =	shalt  }
0x6c: {  	_ =	shalt  }
0x6d: {  	_ =	shalt  }
0x6e: {  	_ =	shalt  }
0x6f: {  	_ =	shalt  }
0x70: {  	_ =	shalt  }
0x71: {  	_ =	shalt  }
0x72: {  	_ =	shalt  }
0x73: {  	_ =	shalt  }
0x74: {  	_ =	shalt  }
0x75: {  	_ =	shalt  }
0x76: {  	_ =	shalt  }
0x77: {  	_ =	shalt  }
0x78: {  	_ =	shalt  }
0x79: {  	_ =	shalt  }
0x7a: {  	_ =	shalt  }
0x7b: {  	_ =	shalt  }
0x7c: {  	_ =	shalt  }
0x7d: {  	_ =	shalt  }
0x7e: {  	_ =	shalt  }
0x7f: {  	_ =	shalt  }
0x80: {  	_ =	shalt  }
0x81: {  	_ =	shalt  }
0x82: {  	_ =	shalt  }
0x83: {  	_ =	shalt  }
0x84: {  	_ =	shalt  }
0x85: {  	_ =	shalt  }
0x86: {  	_ =	shalt  }
0x87: {  	_ =	shalt  }
.Lfunc_end0:
.L_simem_size_0:
called_computation_lowered:
.L_overlay_start_0:
0x88: {  	s2 =	sld [smem:$0x3FD9]  }
0x89: {  	s3 =	sld [smem:$0x3FFE];
	_ =	sdelay $0x1  }
0x8a: {  	s1 =	srdreg.scid  }
0x8b: {  	s0 =	sand.u32 $0x1, s1  }
0x8c: {  	s16 =	sshll.u32 s0, $0xA;
	s2 =	sadd.s32 s3, s2  }
0x8d: {  	s2 =	sadd.s32 s2, s16  }
0x8e: {  	[smem:$0x3FC2] =	sst s2  }
0x8f: {  	_ = 	snop  }
0x90: {  	(tm) =	ssettm $0x1  }
0x91: {  	s17 =	sld [smem:$0x3FFB];
	_ =	sdelay $0x3  }
0x92: {  	_ =	strace s17  }
0x93: {  	s2 =	sld [smem:$0x3FFC];
	_ =	sdelay $0x3  }
0x94: {  	_ =	strace s2  }
0x95: {  	s2 =	sld [smem:$0x3FFD];
	_ =	sdelay $0x3  }
0x96: {  	_ =	strace s2  }
0x97: {  	_ =	strace $0x8FFFFFFF  }
0x98: {  	s18 =	sld [smem:$0x3FDB];
	_ =	sdelay $0x1  }
0x99: {  	s19 =	simm.s32 $_scs_section_size  }
0x9a: {  	s4 =	simm.s32 $_size__tile_overlayer_lowered;
	s5 =	simm.s32 $_tile_overlayer_lowered  }
0x9b: {  	s22 =	simm.s32 $0x1BFF;
	s21 =	sshll.u32 s5, $0x1;
	s2 =	sadd.s32 s19, s18  }
0x9c: {  	s6 =	simm.s32 $0x0;
	s20 =	sshll.u32 s4, $0x1;
	s4 =	sadd.s32 s21, s2  }
0x9d: {  	[timem:s6], [sflag:s22] =	dma.local [hbm:s4], s20  }
0x9e: {  	_ =	swait.ge [sflag:s22], s20  }
0x9f: {  	s3 =	ssub.s32 $0x0, s20;
	[sflag:s22] =	ssyncset.done $0x0  }
0xa0: {  	[sflag:s22] =	ssyncadd.s32 s3;
	_ =	sdelay $0x1  }
0xa1: {  	s23 =	simm.s32 $0x1B8B  }
0xa2: {  	_ =	swait.ge [sflag:s23], $0x1  }
0xa3: {  	[sflag:s23] =	ssyncset.done $0x0  }
0xa4: {  	s25 =	simm.s32 $0x1B8E;
	s24 =	sld [smem:$0x3FFE];
	[sflag:s23] =	ssyncadd.s32 $0xFFFFFFFF  }
0xa5: {  	s26 =	simm.s32 $execute0_lowered;
	[smem:$0x3FD2] =	sst s25  }
0xa6: {  	s4 =	sshll.u32 s26, $0x1;
	_ =	strace $0x80000046;
	[dreg:$0x1] =	wrdreg $0xFFFFFFFF  }
0xa7: {  	s28 =	simm.s32 $_size_execute0_lowered;
	s2 =	sadd.s32 s2, s4;
	[dreg:$0x0] =	wrdreg $0x0  }
0xa8: {  	s4 =	sshll.u32 s28, $0x1;
	[dreg:$0x2] =	wrdreg s2  }
0xa9: {  	[dreg:$0x3] =	wrdreg s4  }
0xaa: {  	[dreg:$0x4] =	wrdreg $0xC0  }
0xab: {  	_ =	task [dreg:s6], $0x5FFFF  }
0xac: {  	[dreg:$0x1] =	wrdreg $0xFFFFFFFF  }
0xad: {  	[dreg:$0x0] =	wrdreg $0x60  }
0xae: {  	[dreg:$0x2] =	wrdreg s24  }
0xaf: {  	[dreg:$0x3] =	wrdreg $0x54000  }
0xb0: {  	[dreg:$0x4] =	wrdreg $0x9  }
0xb1: {  	_ =	task.clear_ibuf [dreg:s6], $0x5FFFF;
	_ =	strace $0x90000046  }
0xb2: {  	s29 =	simm.s32 $0x9;
	_ =	strace $0x80000048  }
0xb3: {  	_ =	swait.ge [sflag:s29], $0x1  }
0xb4: {  	[sflag:s29] =	ssyncadd.s32 $0xFFFFFFFF  }
0xb5: {  	_ =	strace $0x90000048  }
0xb6: {  	_ =	sfence  }
0xb7: {  	s30 =	sld [smem:$0x0];
	_ =	sdelay $0x2  }
0xb8: {  	s31 =	sshll.u32 s1, $0xD;
	s1 =	sshrl.u32 s1, $0x2  }
0xb9: {  	s3 =	sand.u32 $0x4000, s31;
	s1 =	sadd.s32 s1, s30  }
0xba: {  	s0 =	sor.u32 s3, s0;
	s1 =	sshll.u32 s1, $0x11  }
0xbb: {  	s0 =	sor.u32 s1, s0  }
0xbc: {  	s0 =	sadd.s32 $0x8F2B, s0  }
0xbd: {  	[sflag:s0] =	ssyncadd.remote.s32 $0x1  }
0xbe: {  	_ =	sfence.sel $0xFFFF  }
0xbf: {  	[dreg:$0x0] =	wrdreg $0xFFFFFFFF;
	(pc) =	sbr.abs _section_cstart, $3  }
0xc0: {  	[dreg:$0x1] =	wrdreg $0xFFFFFFFF  }
0xc1: {  	_ =	task.clear_ibuf [dreg:s6], $0x2FFFF;
	_ =	strace $0x9FFFFFFF  }
0xc2: {  	(tm) =	ssettm $0x7FFFFFFF  }
0xc3: {  	_ =	shalt  }
tec
execute0_lowered:
.L_overlay_start_1:
0x0: {  	(tag) =	ssettag $0x1  }
0x1: {  	s0 =	srdreg.scid;
	s5 =	rddreg [dreg:$0x0]  }
0x2: {  	s2 =	rddreg [dreg:$0x1];
	s1 =	stileid.u32  }
0x3: {  	s3 =	simm.s32 $0x0;
	s6 =	sand.u32 $0x1, s0;
	s0 =	rddreg [dreg:$0x2]  }
0x4: {  	s14 =	simm.s32 $0x5000;
	[smem:$0x7FF] =	sst s3;
	s8 =	smul.u32 $0x1400, s1  }
0x5: {  	s31 =	sshll.u32 s1, $0x6;
	s4 =	sshll.u32 s6, $0x4;
	_ =	strace $0x80000047  }
0x6: {  	s9 =	smul.u32 $0x2800, s6;
	s6 =	ssub.s32 $0x2, s6;
	s4 =	sor.u32 s1, s4  }
0x7: {  	s15 =	sshrl.u32 s8, $0x3;
	s30 =	sshrl.u32 s6, $0x1;
	s13 =	sadd.s32 s8, s2  }
0x8: {  	s7 =	smul.u32 $0x500, s4;
	s4 =	sadd.s32 $0x3E00, s5;
	s11 =	sadd.s32 s15, s5  }
0x9: {  	s9 =	sadd.s32 s9, s5;
	s12 =	ssub.s32 s6, s30;
	s6 =	sor.u32 $0x1C01, s31  }
0xa: {  	s16 =	sadd.s32 $0x1A600, s9;
	s9 =	smax.u32 s12, $0x1;
	s12 =	simm.s32 $0x2800  }
0xb: {  	s10 =	sadd.s32 s7, s5;
	s5 =	sadd.s32 $0x1600, s11;
	s11 =	simm.s32 $0x1  }
0xc: {  	s15 =	sadd.s32 s15, s16;
	s16 =	simm.s32 $0x0;
	s7 =	sadd.s32 $0x6600, s10  }
0xd: {  	s8 =	sadd.s32 $0x10600, s10;
	s10 =	sshrl.u32 s13, $0x3;
	s13 =	simm.s32 $0x80  }
.LBB2_1:
0xe: {  	[spmem:s10], [sflag:s6] =	dma.local [hbm:s5], $0x280  }
0xf: {  	_ =	swait.ge [sflag:s11], $0x280  }
0x10: {  	[sflag:s11] =	ssyncset.done $0x0  }
0x11: {  	[sflag:s11] =	ssyncadd.s32 $0xFFFFFD80  }
0x12: {  	[tilespmem:s3], [sflag:$0x1] =	stream.linear.gather [hbm4b:s7+s3], $0x2800, $0x38;
	[tilespmem:$0x5680] =	vst v63  }
0x13: {  	_ =	swait.ge [sflag:s11], $0x2800  }
0x14: {  	[sflag:s11] =	ssyncset.done $0x0  }
0x15: {  	[sflag:s11] =	ssyncadd.s32 $0xFFFFD800  }
0x16: {  	[tilespmem:s12], [sflag:$0x1] =	stream.linear.gather [hbm4b:s8+s3], $0x2800, $0x38;
	[tilespmem:$0x5680] =	vst v63  }
0x17: {  	_ =	swait.ge [sflag:s11], $0x2800  }
0x18: {  	[sflag:s11] =	ssyncset.done $0x0  }
0x19: {  	[sflag:s11] =	ssyncadd.s32 $0xFFFFD800  }
0x1a: {  	s17 =	simm.s32 $0x0;
	[bflag:$0x0] =	sbarrier.arrive $0xFFFF  }
0x1b: {  	[tilespmem:s14], [sflag:$0x1] =	stream.indirect.gather [hbm4b:s4+s13], $0x1, s17, s13, $0xb8;
	[tilespmem:$0x5680] =	vst v63  }
0x1c: {  	_ =	swait.ge [sflag:s11], $0x80  }
0x1d: {  	[sflag:s11] =	ssyncset.done $0x0  }
0x1e: {  	s31 =	simm.s32 $0x2800;
	[sflag:s11] =	ssyncadd.s32 $0xFFFFFF80  }
0x1f: {  	[spmem:s2] =	stream.indirect.scatter.add.f32 [tilespmem:s14], [sflag:$0x1], $0x1, s31, s13, $0xb8;
	[tilespmem:$0x5680] =	vst v63  }
0x20: {  	_ =	swait.ge [sflag:s11], $0x80  }
0x21: {  	s18 =	simm.s32 $0x400;
	s17 =	simm.s32 $0x200;
	[sflag:s11] =	ssyncset.done $0x0  }
.LBB2_2:
0x22: {  	s19 =	sshra.s32 s17, $0x2  }
0x23: {  	[sflag:s11] =	ssyncadd.s32 $0xFFFFFF80;
	s17 =	smov.u32 s18;
	s20 =	sadd.s32 $0x200, s18  }
0x24: {  	[tilespmem:s14], [sflag:$0x1] =	stream.indirect.gather [hbm4b:s4+s13], $0x1, s19, s13, $0xb8;
	[tilespmem:$0x5680] =	vst v63  }
0x25: {  	p0 =	sne.s32 s18, $0x9E00;
	_ =	swait.ge [sflag:s11], $0x80  }
.Ltmp0:
0x26: {  	[sflag:s11] =	ssyncset.done $0x0;
	(pc) =	sbr.rel @p0 .LBB2_2-.Ltmp0, $4  }
0x27: {  	s18 =	sadd.s32 $0x2800, s19;
	[sflag:s11] =	ssyncadd.s32 $0xFFFFFF80  }
0x28: {  	[spmem:s2] =	stream.indirect.scatter.add.f32 [tilespmem:s14], [sflag:$0x1], $0x1, s18, s13, $0xb8;
	[tilespmem:$0x5680] =	vst v63  }
0x29: {  	_ =	swait.ge [sflag:s11], $0x80  }
0x2a: {  	s18 =	smov.u32 s20;
	[sflag:s11] =	ssyncset.done $0x0  }
0x2b: {  	s17 =	sshra.s32 s17, $0x2;
	[sflag:s11] =	ssyncadd.s32 $0xFFFFFF80  }
0x2c: {  	[tilespmem:s14], [sflag:$0x1] =	stream.indirect.gather [hbm4b:s4+s13], $0x1, s17, s13, $0xb8;
	[tilespmem:$0x5680] =	vst v63  }
0x2d: {  	_ =	swait.ge [sflag:s11], $0x80  }
0x2e: {  	[sflag:s11] =	ssyncset.done $0x0  }
0x2f: {  	s17 =	sadd.s32 $0x2800, s17;
	[sflag:s11] =	ssyncadd.s32 $0xFFFFFF80  }
0x30: {  	[spmem:s2] =	stream.indirect.scatter.add.f32 [tilespmem:s14], [sflag:$0x1], $0x1, s17, s13, $0xb8;
	[tilespmem:$0x5680] =	vst v63  }
0x31: {  	_ =	swait.ge [sflag:s11], $0x80  }
0x32: {  	s16 =	sadd.s32 $0x1, s16;
	[sflag:s11] =	ssyncset.done $0x0  }
0x33: {  	p0 =	sne.s32 s16, s9;
	[sflag:s11] =	ssyncadd.s32 $0xFFFFFF80  }
.Ltmp1:
0x34: {  	[bflag:$0x0] =	sbarrier.arrive $0xFFFF;
	(pc) =	sbr.rel @p0 .LBB2_1-.Ltmp1, $4  }
0x35: {  	[hbm:s15], [sflag:s6] =	dma.local [spmem:s10], $0x280  }
0x36: {  	_ =	swait.ge [sflag:s11], $0x280  }
0x37: {  	[sflag:s11] =	ssyncset.done $0x0  }
0x38: {  	[sflag:s11] =	ssyncadd.s32 $0xFFFFFD80  }
0x39: {  	_ =	sfence.sel $0x180000  }
0x3a: {  	[bflag:$0x0] =	sbarrier.arrive $0xFFFF  }
0x3b: {  	p0 =	sne.s32 s1, $0x0;
	_ =	strace $0x90000047  }
0x3c: {  	s0 =	sadd.s32 @!p0 $0x100000, s0;
	[bflag:$0x2] =	sbarrier.arrive $0xFFFF  }
0x3d: {  	[sflag:s0] =	ssyncadd.tile.s32 @!p0 $0x1;
	_ =	shalt  }
.Lfunc_end2:
_tile_overlayer_lowered:
.L_overlay_start_2:
0x3e: {  	(tag) =	ssettag $0x2  }
0x3f: {  	s0 =	rddreg [dreg:$0x0];
	s2 =	stileid.u32  }
0x40: {  	s1 =	rddreg [dreg:$0x1];
	p0 =	sne.s32 s2, $0x0  }
0x41: {  	s3 =	rddreg [dreg:$0x2];
	[bflag:$0x3] =	sbarrier.arrive $0xFFFF;
	s2 =	simm.s32 @!p0 $0x1C01  }
0x42: {  	[timem:s3], [sflag:s2] =	dma.local @!p0 [hbm:s0], s1  }
0x43: {  	s0 =	simm.s32 @!p0 $0x1  }
0x44: {  	_ =	swait.ge @!p0 [sflag:s0], s1  }
0x45: {  	s1 =	ssub.s32 @!p0 $0x0, s1;
	[sflag:s0] =	ssyncset.done @!p0 $0x0  }
0x46: {  	[sflag:s0] =	ssyncadd.s32 @!p0 s1  }
0x47: {  	[bflag:$0x3] =	sbarrier.arrive $0xFFFF  }
0x48: {  	_ =	shalt  }

</sc_bundles>
